<compile_context>
chip_gen: v7x
topology: tpu7x:2x2x1
jax: 0.10.2.dev20260603
libtpu: 0.0.44.dev20260713+nightly
codegen_flags: <defaults>
</compile_context>

<pallas_src>
import functools

import jax
import jax.numpy as jnp
from jax import lax
from jax.experimental import pallas as pl
from jax.experimental.pallas import tpu as pltpu
from jax.experimental.pallas import tpu_sc as plsc

NC, NS, LANES = 2, 16, 16
NW = NC * NS
MASKHI = -65536


def _sc_gather_sum(B, L, V, D, VP):
    CB = 64
    n_chunks = B // CB
    n_groups = CB // LANES
    LP = L + 1
    CHUNK = CB * LP
    PIECES = VP // 128

    mesh = plsc.VectorSubcoreMesh(
        core_axis_name="c", subcore_axis_name="s", num_cores=NC, num_subcores=NS
    )

    @functools.partial(
        pl.kernel,
        out_type=jax.ShapeDtypeStruct((D, B), jnp.float32),
        mesh=mesh,
        compiler_params=pltpu.CompilerParams(
            use_tc_tiling_on_sc=False, needs_layout_passes=False,
            disable_bounds_checks=True
        ),
        scratch_types=[
            pltpu.VMEM((PIECES, 128), jnp.int32),
            pltpu.VMEM((2, CHUNK), jnp.int32),
            pltpu.VMEM((2, B), jnp.float32),
            pltpu.VMEM((2, LANES), jnp.float32),
            pltpu.SemaphoreType.DMA,
            pltpu.SemaphoreType.DMA,
            pltpu.SemaphoreType.DMA,
        ],
    )
    def k(tok_hbm, wp_hbm, bb_hbm, out_hbm, wrow_v, tok_v, orow_v, bias_v,
          sem0, sem1, semw):
        cid = lax.axis_index("c")
        sid = lax.axis_index("s")
        wid = sid * NC + cid
        sems = (sem0, sem1)
        base = lax.iota(jnp.int32, 16) * LP
        boffs = [base + g * LANES * LP for g in range(n_groups)]

        wcp = pltpu.async_copy(wp_hbm.at[wid // 8, :, wid % 8, :], wrow_v,
                               semw)
        pltpu.async_copy(tok_hbm.at[pl.ds(0, CHUNK)], tok_v.at[0], sems[0])
        pltpu.async_copy(tok_hbm.at[pl.ds(CHUNK, CHUNK)], tok_v.at[1],
                         sems[1])
        pltpu.sync_copy(bb_hbm.at[wid], bias_v.at[0])
        pltpu.sync_copy(bb_hbm.at[wid + NW], bias_v.at[1])
        bias_hi = bias_v[0, :]
        bias_lo = bias_v[1, :]
        wcp.wait()

        def process_chunk(c, buf):
            pltpu.make_async_copy(
                tok_hbm.at[pl.ds(c * CHUNK, CHUNK)], tok_v.at[buf],
                sems[buf]).wait()

            def lbody(l, accs):
                his, los = accs
                nh, nl = [], []
                for g in range(n_groups):
                    ti = plsc.load_gather(tok_v.at[buf], [boffs[g] + l])
                    x = plsc.load_gather(
                        wrow_v, [lax.shift_right_logical(ti, 7), ti & 127])
                    hi = plsc.bitcast(x & jnp.int32(MASKHI), jnp.float32)
                    lo = plsc.bitcast(lax.shift_left(x, 16), jnp.float32)
                    nh.append(his[g] + hi)
                    nl.append(los[g] + lo)
                return tuple(nh), tuple(nl)

            accs = lax.fori_loop(
                0, L, lbody,
                ((bias_hi,) * n_groups, (bias_lo,) * n_groups), unroll=2)
            for g in range(n_groups):
                orow_v[0, pl.ds(c * CB + g * LANES, LANES)] = accs[0][g]
                orow_v[1, pl.ds(c * CB + g * LANES, LANES)] = accs[1][g]

        def jbody(j, carry):
            c0 = 2 * j
            process_chunk(c0, 0)
            pltpu.async_copy(
                tok_hbm.at[pl.ds((c0 + 2) * CHUNK, CHUNK)], tok_v.at[0],
                sems[0])
            process_chunk(c0 + 1, 1)
            pltpu.async_copy(
                tok_hbm.at[pl.ds((c0 + 3) * CHUNK, CHUNK)], tok_v.at[1],
                sems[1])
            return carry

        lax.fori_loop(0, n_chunks // 2 - 1, jbody, jnp.int32(0))
        process_chunk(n_chunks - 2, 0)
        process_chunk(n_chunks - 1, 1)
        pltpu.sync_copy(orow_v.at[0], out_hbm.at[wid])
        pltpu.sync_copy(orow_v.at[1], out_hbm.at[wid + NW])

    return k


def kernel(tokens, W, b):
    B, L = tokens.shape
    D, V = W.shape
    VP = ((V + 127) // 128) * 128
    tok_pad = jnp.pad(tokens.astype(jnp.int32), ((0, 0), (0, 1)))
    tok_flat = tok_pad.reshape(B * (L + 1))
    Wu = lax.bitcast_convert_type(
        jnp.pad(W, ((0, 0), (0, VP - V))), jnp.uint32)
    Wt = Wu.reshape(8, 8, VP // 128, 128).transpose(0, 2, 1, 3)
    Wr = Wt + jnp.uint32(0x7FFF) + ((Wt >> 16) & jnp.uint32(1))
    Wp4 = lax.bitcast_convert_type(
        (Wr[:4] & jnp.uint32(0xFFFF0000)) | (Wr[4:] >> 16),
        jnp.int32)
    bb = jnp.broadcast_to(b[:, None], (D, LANES))
    outT = _sc_gather_sum(B, L, V, D, VP)(tok_flat, Wp4, bb)
    return outT.T[:, None, :]

# --- scband reference (transcript-rebuilt; emitter-appended) ---
"""Pipeline reference for scband-count-vectorizer-59820304499091 (READ-ONLY COPY).

The authoritative reference and input builder live on the scoring server;
editing this copy changes nothing except your own understanding.
"""

import jax, jax.numpy as jnp
import numpy as np

B, L, V, D = 1024, 200, 100000, 64

def setup_inputs(seed: int = 0) -> dict:
    key = jax.random.key(seed)
    k1, k2, k3 = jax.random.split(key, 3)
    tokens = jax.random.randint(k1, (B, L), 0, V)
    # fc parameters: LazyLinear(V -> D), torch layout weight [D, V]
    bound = 1.0 / np.sqrt(V)
    W = jax.random.uniform(k2, (D, V), minval=-bound, maxval=bound, dtype=jnp.float32)
    b = jax.random.uniform(k3, (D,), minval=-bound, maxval=bound, dtype=jnp.float32)
    return {"tokens": tokens, "W": W, "b": b}

def reference(tokens, W, b):
    # CountVectorizer forward: per-text histogram over vocab, then linear.
    # Each text is a sequence of L word ids; count_vector[b, 0, v] = #occurrences of v.
    Bv = tokens.shape[0]
    Vv = W.shape[1]
    rows = jnp.arange(Bv)[:, None]  # [B, 1] broadcast against [B, L]
    counts = jnp.zeros((Bv, Vv), dtype=jnp.float32).at[rows, tokens].add(1.0)
    # original stacks [1, V] vectors along dim 0 -> [B, 1, V]
    counts = counts[:, None, :]
    out = jnp.einsum('bqv,dv->bqd', counts, W) + b  # [B, 1, D]
    return out

if __name__ == "__main__":
    import jax
    _d = setup_inputs()
    print(jax.jit(kernel)(*tuple(_d.values())))

</pallas_src>

<mosaic_0001>
#map = affine_map<(d0, d1) -> (0)>
#map1 = affine_map<(d0, d1) -> (0, 0, 0, 0)>
#map2 = affine_map<(d0, d1) -> (0, 0)>
module attributes {stable_mosaic.version = 14 : i64} {
  func.func @k(%arg0: i32, %arg1: i32, %arg2: memref<205824xi32, #tpu.memory_space<hbm>>, %arg3: memref<4x782x8x128xi32, #tpu.memory_space<hbm>>, %arg4: memref<64x16xf32, #tpu.memory_space<hbm>>, %arg5: memref<64x1024xf32, #tpu.memory_space<hbm>>, %arg6: memref<782x128xi32, #tpu.memory_space<vmem>>, %arg7: memref<2x12864xi32, #tpu.memory_space<vmem>>, %arg8: memref<2x1024xf32, #tpu.memory_space<vmem>>, %arg9: memref<2x16xf32, #tpu.memory_space<vmem>>, %arg10: memref<!tpu.dma_semaphore, #tpu.memory_space<semaphore_mem>>, %arg11: memref<!tpu.dma_semaphore, #tpu.memory_space<semaphore_mem>>, %arg12: memref<!tpu.dma_semaphore, #tpu.memory_space<semaphore_mem>>) attributes {dimension_semantics = [#tpu.dimension_semantics<core_parallel>, #tpu.dimension_semantics<subcore_parallel>], iteration_bounds = array<i64: 2, 16>, scalar_prefetch = 0 : i64, scratch_operands = 7 : i64, tpu.core_type = #tpu.core_type<sc_vector_subcore>, window_params = [{transform_indices = #map}, {transform_indices = #map1}, {transform_indices = #map2}, {transform_indices = #map2}]} {
    %mul3A = arith.constant 2 : i32
    %mul3A_0 = arith.muli %arg1, %mul3A : i32
    %add3A = arith.addi %mul3A_0, %arg0 : i32
    %iota3A = tpu.iota {dimensions = array<i32: 0>} : vector<16xi32>
    %mul3A_1 = arith.constant 201 : i32
    %mul3A_2 = vector.broadcast %mul3A_1 : i32 to vector<16xi32>
    %mul3A_3 = arith.muli %iota3A, %mul3A_2 : vector<16xi32>
    %add3A_4 = arith.constant 0 : i32
    %add3A_5 = vector.broadcast %add3A_4 : i32 to vector<16xi32>
    %add3A_6 = arith.addi %mul3A_3, %add3A_5 : vector<16xi32>
    %add3A_7 = arith.constant 3216 : i32
    %add3A_8 = vector.broadcast %add3A_7 : i32 to vector<16xi32>
    %add3A_9 = arith.addi %mul3A_3, %add3A_8 : vector<16xi32>
    %add3A_10 = arith.constant 6432 : i32
    %add3A_11 = vector.broadcast %add3A_10 : i32 to vector<16xi32>
    %add3A_12 = arith.addi %mul3A_3, %add3A_11 : vector<16xi32>
    %add3A_13 = arith.constant 9648 : i32
    %add3A_14 = vector.broadcast %add3A_13 : i32 to vector<16xi32>
    %add3A_15 = arith.addi %mul3A_3, %add3A_14 : vector<16xi32>
    %jit3A = arith.constant 8 : i32
    %div3A = arith.divsi %add3A, %jit3A : i32
    %sign3A = arith.constant 0 : i32
    %sign3A_16 = arith.cmpi sgt, %add3A, %sign3A : i32
    %sign3A_17 = arith.extui %sign3A_16 : i1 to i32
    %sign3A_18 = arith.constant 0 : i32
    %sign3A_19 = arith.cmpi slt, %add3A, %sign3A_18 : i32
    %sign3A_20 = arith.extui %sign3A_19 : i1 to i32
    %sign3A_21 = arith.subi %sign3A_17, %sign3A_20 : i32
    %sign3A_22 = arith.constant 0 : i32
    %sign3A_23 = arith.cmpi sgt, %jit3A, %sign3A_22 : i32
    %sign3A_24 = arith.extui %sign3A_23 : i1 to i32
    %sign3A_25 = arith.constant 0 : i32
    %sign3A_26 = arith.cmpi slt, %jit3A, %sign3A_25 : i32
    %sign3A_27 = arith.extui %sign3A_26 : i1 to i32
    %sign3A_28 = arith.subi %sign3A_24, %sign3A_27 : i32
    %ne3A = arith.cmpi ne, %sign3A_21, %sign3A_28 : i32
    %rem3A = arith.remsi %add3A, %jit3A : i32
    %ne3A_29 = arith.constant 0 : i32
    %ne3A_30 = arith.cmpi ne, %rem3A, %ne3A_29 : i32
    %and3A = arith.andi %ne3A, %ne3A_30 : i1
    %sub3A = arith.constant 1 : i32
    %sub3A_31 = arith.subi %div3A, %sub3A : i32
    %select_n3A = arith.select %and3A, %sub3A_31, %div3A : i32
    %jit3A_32 = arith.constant 8 : i32
    %eq3A = arith.constant 0 : i32
    %eq3A_33 = arith.cmpi eq, %jit3A_32, %eq3A : i32
    %jit3A_34 = arith.constant 1 : i32
    %select_n3A_35 = arith.select %eq3A_33, %jit3A_34, %jit3A_32 : i32
    %rem3A_36 = arith.remsi %add3A, %select_n3A_35 : i32
    %ne3A_37 = arith.constant 0 : i32
    %ne3A_38 = arith.cmpi ne, %rem3A_36, %ne3A_37 : i32
    %lt3A = arith.constant 0 : i32
    %lt3A_39 = arith.cmpi slt, %rem3A_36, %lt3A : i32
    %lt3A_40 = arith.constant 0 : i32
    %lt3A_41 = arith.cmpi slt, %select_n3A_35, %lt3A_40 : i32
    %ne3A_42 = arith.xori %lt3A_39, %lt3A_41 : i1
    %and3A_43 = arith.andi %ne3A_42, %ne3A_38 : i1
    %add3A_44 = arith.addi %rem3A_36, %select_n3A_35 : i32
    %select_n3A_45 = arith.select %and3A_43, %add3A_44, %rem3A_36 : i32
    %dma_start3A = arith.constant 0 : i32
    %dma_start3A_46 = arith.constant 0 : i32
    %dma_start3A_47 = tpu.memref_slice %arg3[%select_n3A, %dma_start3A, %select_n3A_45, %dma_start3A_46] : memref<4x782x8x128xi32, #tpu.memory_space<hbm>> -> memref<1x782x1x128xi32, #tpu.memory_space<hbm>>
    %dma_start3A_48 = tpu.memref_squeeze %dma_start3A_47 : memref<1x782x1x128xi32, #tpu.memory_space<hbm>> -> memref<782x128xi32, #tpu.memory_space<hbm>>
    %dma_start3A_49 = arith.constant 0 : i32
    %dma_start3A_50 = arith.constant 0 : i32
    %dma_start3A_51 = tpu.memref_slice %arg3[%select_n3A, %dma_start3A_49, %select_n3A_45, %dma_start3A_50] : memref<4x782x8x128xi32, #tpu.memory_space<hbm>> -> memref<1x782x1x128xi32, #tpu.memory_space<hbm>>
    %dma_start3A_52 = tpu.memref_squeeze %dma_start3A_51 : memref<1x782x1x128xi32, #tpu.memory_space<hbm>> -> memref<782x128xi32, #tpu.memory_space<hbm>>
    tpu.enqueue_dma source(%dma_start3A_52 : memref<782x128xi32, #tpu.memory_space<hbm>>) target(%arg6 : memref<782x128xi32, #tpu.memory_space<vmem>>) target_semaphore(%arg12 : memref<!tpu.dma_semaphore, #tpu.memory_space<semaphore_mem>>)
    %dma_start3A_53 = arith.constant 0 : i32
    %dma_start3A_54 = arith.constant 0 : i32
    %dma_start3A_55 = tpu.memref_slice %arg7[%dma_start3A_53, %dma_start3A_54] : memref<2x12864xi32, #tpu.memory_space<vmem>> -> memref<1x12864xi32, #tpu.memory_space<vmem>>
    %dma_start3A_56 = tpu.memref_squeeze %dma_start3A_55 : memref<1x12864xi32, #tpu.memory_space<vmem>> -> memref<12864xi32, #tpu.memory_space<vmem>>
    %dma_start3A_57 = arith.constant 0 : i32
    %dma_start3A_58 = tpu.memref_slice %arg2[%dma_start3A_57] : memref<205824xi32, #tpu.memory_space<hbm>> -> memref<12864xi32, #tpu.memory_space<hbm>>
    %dma_start3A_59 = arith.constant 0 : i32
    %dma_start3A_60 = tpu.memref_slice %arg7[%dma_start3A_53, %dma_start3A_59] : memref<2x12864xi32, #tpu.memory_space<vmem>> -> memref<1x12864xi32, #tpu.memory_space<vmem>>
    %dma_start3A_61 = tpu.memref_squeeze %dma_start3A_60 : memref<1x12864xi32, #tpu.memory_space<vmem>> -> memref<12864xi32, #tpu.memory_space<vmem>>
    %dma_start3A_62 = arith.constant 0 : i32
    %dma_start3A_63 = tpu.memref_slice %arg2[%dma_start3A_62] : memref<205824xi32, #tpu.memory_space<hbm>> -> memref<12864xi32, #tpu.memory_space<hbm>>
    tpu.enqueue_dma source(%dma_start3A_63 : memref<12864xi32, #tpu.memory_space<hbm>>) target(%dma_start3A_61 : memref<12864xi32, #tpu.memory_space<vmem>>) target_semaphore(%arg10 : memref<!tpu.dma_semaphore, #tpu.memory_space<semaphore_mem>>)
    %dma_start3A_64 = arith.constant 1 : i32
    %dma_start3A_65 = arith.constant 0 : i32
    %dma_start3A_66 = tpu.memref_slice %arg7[%dma_start3A_64, %dma_start3A_65] : memref<2x12864xi32, #tpu.memory_space<vmem>> -> memref<1x12864xi32, #tpu.memory_space<vmem>>
    %dma_start3A_67 = tpu.memref_squeeze %dma_start3A_66 : memref<1x12864xi32, #tpu.memory_space<vmem>> -> memref<12864xi32, #tpu.memory_space<vmem>>
    %dma_start3A_68 = arith.constant 12864 : i32
    %dma_start3A_69 = tpu.memref_slice %arg2[%dma_start3A_68] : memref<205824xi32, #tpu.memory_space<hbm>> -> memref<12864xi32, #tpu.memory_space<hbm>>
    %dma_start3A_70 = arith.constant 0 : i32
    %dma_start3A_71 = tpu.memref_slice %arg7[%dma_start3A_64, %dma_start3A_70] : memref<2x12864xi32, #tpu.memory_space<vmem>> -> memref<1x12864xi32, #tpu.memory_space<vmem>>
    %dma_start3A_72 = tpu.memref_squeeze %dma_start3A_71 : memref<1x12864xi32, #tpu.memory_space<vmem>> -> memref<12864xi32, #tpu.memory_space<vmem>>
    %dma_start3A_73 = arith.constant 12864 : i32
    %dma_start3A_74 = tpu.memref_slice %arg2[%dma_start3A_73] : memref<205824xi32, #tpu.memory_space<hbm>> -> memref<12864xi32, #tpu.memory_space<hbm>>
    tpu.enqueue_dma source(%dma_start3A_74 : memref<12864xi32, #tpu.memory_space<hbm>>) target(%dma_start3A_72 : memref<12864xi32, #tpu.memory_space<vmem>>) target_semaphore(%arg11 : memref<!tpu.dma_semaphore, #tpu.memory_space<semaphore_mem>>)
    %run_scoped3A = arith.constant 0 : i32
    "tpu.region"() ({
      %run_scoped3A_198 = tpu.sem_alloc : memref<!tpu.dma_semaphore, #tpu.memory_space<semaphore_mem>>
      %dma_start3A_199 = arith.constant 0 : i32
      %dma_start3A_200 = tpu.memref_slice %arg9[%run_scoped3A, %dma_start3A_199] : memref<2x16xf32, #tpu.memory_space<vmem>> -> memref<1x16xf32, #tpu.memory_space<vmem>>
      %dma_start3A_201 = tpu.memref_squeeze %dma_start3A_200 : memref<1x16xf32, #tpu.memory_space<vmem>> -> memref<16xf32, #tpu.memory_space<vmem>>
      %dma_start3A_202 = arith.constant 0 : i32
      %dma_start3A_203 = tpu.memref_slice %arg4[%add3A, %dma_start3A_202] : memref<64x16xf32, #tpu.memory_space<hbm>> -> memref<1x16xf32, #tpu.memory_space<hbm>>
      %dma_start3A_204 = tpu.memref_squeeze %dma_start3A_203 : memref<1x16xf32, #tpu.memory_space<hbm>> -> memref<16xf32, #tpu.memory_space<hbm>>
      %dma_start3A_205 = arith.constant 0 : i32
      %dma_start3A_206 = tpu.memref_slice %arg9[%run_scoped3A, %dma_start3A_205] : memref<2x16xf32, #tpu.memory_space<vmem>> -> memref<1x16xf32, #tpu.memory_space<vmem>>
      %dma_start3A_207 = tpu.memref_squeeze %dma_start3A_206 : memref<1x16xf32, #tpu.memory_space<vmem>> -> memref<16xf32, #tpu.memory_space<vmem>>
      %dma_start3A_208 = arith.constant 0 : i32
      %dma_start3A_209 = tpu.memref_slice %arg4[%add3A, %dma_start3A_208] : memref<64x16xf32, #tpu.memory_space<hbm>> -> memref<1x16xf32, #tpu.memory_space<hbm>>
      %dma_start3A_210 = tpu.memref_squeeze %dma_start3A_209 : memref<1x16xf32, #tpu.memory_space<hbm>> -> memref<16xf32, #tpu.memory_space<hbm>>
      tpu.enqueue_dma source(%dma_start3A_210 : memref<16xf32, #tpu.memory_space<hbm>>) target(%dma_start3A_207 : memref<16xf32, #tpu.memory_space<vmem>>) target_semaphore(%run_scoped3A_198 : memref<!tpu.dma_semaphore, #tpu.memory_space<semaphore_mem>>)
      %dma_wait3A_211 = arith.constant 0 : i32
      %dma_wait3A_212 = tpu.memref_slice %arg9[%run_scoped3A, %dma_wait3A_211] : memref<2x16xf32, #tpu.memory_space<vmem>> -> memref<1x16xf32, #tpu.memory_space<vmem>>
      %dma_wait3A_213 = tpu.memref_squeeze %dma_wait3A_212 : memref<1x16xf32, #tpu.memory_space<vmem>> -> memref<16xf32, #tpu.memory_space<vmem>>
      %dma_wait3A_214 = arith.constant 0 : i32
      %dma_wait3A_215 = tpu.memref_slice %arg4[%add3A, %dma_wait3A_214] : memref<64x16xf32, #tpu.memory_space<hbm>> -> memref<1x16xf32, #tpu.memory_space<hbm>>
      %dma_wait3A_216 = tpu.memref_squeeze %dma_wait3A_215 : memref<1x16xf32, #tpu.memory_space<hbm>> -> memref<16xf32, #tpu.memory_space<hbm>>
      %dma_wait3A_217 = arith.constant 0 : i32
      %dma_wait3A_218 = tpu.memref_slice %arg9[%run_scoped3A, %dma_wait3A_217] : memref<2x16xf32, #tpu.memory_space<vmem>> -> memref<1x16xf32, #tpu.memory_space<vmem>>
      %dma_wait3A_219 = tpu.memref_squeeze %dma_wait3A_218 : memref<1x16xf32, #tpu.memory_space<vmem>> -> memref<16xf32, #tpu.memory_space<vmem>>
      %dma_wait3A_220 = arith.constant 0 : i32
      %dma_wait3A_221 = tpu.memref_slice %arg4[%add3A, %dma_wait3A_220] : memref<64x16xf32, #tpu.memory_space<hbm>> -> memref<1x16xf32, #tpu.memory_space<hbm>>
      %dma_wait3A_222 = tpu.memref_squeeze %dma_wait3A_221 : memref<1x16xf32, #tpu.memory_space<hbm>> -> memref<16xf32, #tpu.memory_space<hbm>>
      tpu.wait_dma2 semaphore(%run_scoped3A_198 : memref<!tpu.dma_semaphore, #tpu.memory_space<semaphore_mem>>) src(%dma_wait3A_222 : memref<16xf32, #tpu.memory_space<hbm>>) dst(%dma_wait3A_219 : memref<16xf32, #tpu.memory_space<vmem>>)
      tpu.yield
    }) : () -> ()
    %add3A_75 = arith.constant 32 : i32
    %add3A_76 = arith.addi %add3A, %add3A_75 : i32
    %run_scoped3A_77 = arith.constant 1 : i32
    "tpu.region"() ({
      %run_scoped3A_198 = tpu.sem_alloc : memref<!tpu.dma_semaphore, #tpu.memory_space<semaphore_mem>>
      %dma_start3A_199 = arith.constant 0 : i32
      %dma_start3A_200 = tpu.memref_slice %arg9[%run_scoped3A_77, %dma_start3A_199] : memref<2x16xf32, #tpu.memory_space<vmem>> -> memref<1x16xf32, #tpu.memory_space<vmem>>
      %dma_start3A_201 = tpu.memref_squeeze %dma_start3A_200 : memref<1x16xf32, #tpu.memory_space<vmem>> -> memref<16xf32, #tpu.memory_space<vmem>>
      %dma_start3A_202 = arith.constant 0 : i32
      %dma_start3A_203 = tpu.memref_slice %arg4[%add3A_76, %dma_start3A_202] : memref<64x16xf32, #tpu.memory_space<hbm>> -> memref<1x16xf32, #tpu.memory_space<hbm>>
      %dma_start3A_204 = tpu.memref_squeeze %dma_start3A_203 : memref<1x16xf32, #tpu.memory_space<hbm>> -> memref<16xf32, #tpu.memory_space<hbm>>
      %dma_start3A_205 = arith.constant 0 : i32
      %dma_start3A_206 = tpu.memref_slice %arg9[%run_scoped3A_77, %dma_start3A_205] : memref<2x16xf32, #tpu.memory_space<vmem>> -> memref<1x16xf32, #tpu.memory_space<vmem>>
      %dma_start3A_207 = tpu.memref_squeeze %dma_start3A_206 : memref<1x16xf32, #tpu.memory_space<vmem>> -> memref<16xf32, #tpu.memory_space<vmem>>
      %dma_start3A_208 = arith.constant 0 : i32
      %dma_start3A_209 = tpu.memref_slice %arg4[%add3A_76, %dma_start3A_208] : memref<64x16xf32, #tpu.memory_space<hbm>> -> memref<1x16xf32, #tpu.memory_space<hbm>>
      %dma_start3A_210 = tpu.memref_squeeze %dma_start3A_209 : memref<1x16xf32, #tpu.memory_space<hbm>> -> memref<16xf32, #tpu.memory_space<hbm>>
      tpu.enqueue_dma source(%dma_start3A_210 : memref<16xf32, #tpu.memory_space<hbm>>) target(%dma_start3A_207 : memref<16xf32, #tpu.memory_space<vmem>>) target_semaphore(%run_scoped3A_198 : memref<!tpu.dma_semaphore, #tpu.memory_space<semaphore_mem>>)
      %dma_wait3A_211 = arith.constant 0 : i32
      %dma_wait3A_212 = tpu.memref_slice %arg9[%run_scoped3A_77, %dma_wait3A_211] : memref<2x16xf32, #tpu.memory_space<vmem>> -> memref<1x16xf32, #tpu.memory_space<vmem>>
      %dma_wait3A_213 = tpu.memref_squeeze %dma_wait3A_212 : memref<1x16xf32, #tpu.memory_space<vmem>> -> memref<16xf32, #tpu.memory_space<vmem>>
      %dma_wait3A_214 = arith.constant 0 : i32
      %dma_wait3A_215 = tpu.memref_slice %arg4[%add3A_76, %dma_wait3A_214] : memref<64x16xf32, #tpu.memory_space<hbm>> -> memref<1x16xf32, #tpu.memory_space<hbm>>
      %dma_wait3A_216 = tpu.memref_squeeze %dma_wait3A_215 : memref<1x16xf32, #tpu.memory_space<hbm>> -> memref<16xf32, #tpu.memory_space<hbm>>
      %dma_wait3A_217 = arith.constant 0 : i32
      %dma_wait3A_218 = tpu.memref_slice %arg9[%run_scoped3A_77, %dma_wait3A_217] : memref<2x16xf32, #tpu.memory_space<vmem>> -> memref<1x16xf32, #tpu.memory_space<vmem>>
      %dma_wait3A_219 = tpu.memref_squeeze %dma_wait3A_218 : memref<1x16xf32, #tpu.memory_space<vmem>> -> memref<16xf32, #tpu.memory_space<vmem>>
      %dma_wait3A_220 = arith.constant 0 : i32
      %dma_wait3A_221 = tpu.memref_slice %arg4[%add3A_76, %dma_wait3A_220] : memref<64x16xf32, #tpu.memory_space<hbm>> -> memref<1x16xf32, #tpu.memory_space<hbm>>
      %dma_wait3A_222 = tpu.memref_squeeze %dma_wait3A_221 : memref<1x16xf32, #tpu.memory_space<hbm>> -> memref<16xf32, #tpu.memory_space<hbm>>
      tpu.wait_dma2 semaphore(%run_scoped3A_198 : memref<!tpu.dma_semaphore, #tpu.memory_space<semaphore_mem>>) src(%dma_wait3A_222 : memref<16xf32, #tpu.memory_space<hbm>>) dst(%dma_wait3A_219 : memref<16xf32, #tpu.memory_space<vmem>>)
      tpu.yield
    }) : () -> ()
    %get3A = arith.constant 0 : i32
    %get3A_78 = arith.index_cast %get3A : i32 to index
    %get3A_79 = arith.constant 0 : index
    %get3A_80 = tpu.vector_load %arg9[%get3A_78, %get3A_79] {strides = array<i32>} : memref<2x16xf32, #tpu.memory_space<vmem>>, vector<16xf32>,
    %get3A_81 = arith.constant 1 : i32
    %get3A_82 = arith.index_cast %get3A_81 : i32 to index
    %get3A_83 = arith.constant 0 : index
    %get3A_84 = tpu.vector_load %arg9[%get3A_82, %get3A_83] {strides = array<i32>} : memref<2x16xf32, #tpu.memory_space<vmem>>, vector<16xf32>,
    %dma_wait3A = arith.constant 0 : i32
    %dma_wait3A_85 = arith.constant 0 : i32
    %dma_wait3A_86 = tpu.memref_slice %arg3[%select_n3A, %dma_wait3A, %select_n3A_45, %dma_wait3A_85] : memref<4x782x8x128xi32, #tpu.memory_space<hbm>> -> memref<1x782x1x128xi32, #tpu.memory_space<hbm>>
    %dma_wait3A_87 = tpu.memref_squeeze %dma_wait3A_86 : memref<1x782x1x128xi32, #tpu.memory_space<hbm>> -> memref<782x128xi32, #tpu.memory_space<hbm>>
    %dma_wait3A_88 = arith.constant 0 : i32
    %dma_wait3A_89 = arith.constant 0 : i32
    %dma_wait3A_90 = tpu.memref_slice %arg3[%select_n3A, %dma_wait3A_88, %select_n3A_45, %dma_wait3A_89] : memref<4x782x8x128xi32, #tpu.memory_space<hbm>> -> memref<1x782x1x128xi32, #tpu.memory_space<hbm>>
    %dma_wait3A_91 = tpu.memref_squeeze %dma_wait3A_90 : memref<1x782x1x128xi32, #tpu.memory_space<hbm>> -> memref<782x128xi32, #tpu.memory_space<hbm>>
    tpu.wait_dma2 semaphore(%arg12 : memref<!tpu.dma_semaphore, #tpu.memory_space<semaphore_mem>>) src(%dma_wait3A_91 : memref<782x128xi32, #tpu.memory_space<hbm>>) dst(%arg6 : memref<782x128xi32, #tpu.memory_space<vmem>>)
    %scan3A = arith.constant 0 : i32
    %scan3A_92 = arith.constant 0 : i32
    %scan3A_93 = arith.constant 7 : i32
    %scan3A_94 = arith.addi %scan3A_92, %scan3A_93 : i32
    %scan3A_95 = arith.constant 1 : i32
    scf.for %scan3A_198 = %scan3A_92 to %scan3A_94 step %scan3A_95  : i32 {
      %mul3A_199 = arith.constant 2 : i32
      %mul3A_200 = arith.muli %mul3A_199, %scan3A_198 : i32
      %mul3A_201 = arith.constant 12864 : i32
      %mul3A_202 = arith.muli %mul3A_200, %mul3A_201 : i32
      %dma_wait3A_203 = arith.constant 0 : i32
      %dma_wait3A_204 = arith.constant 0 : i32
      %dma_wait3A_205 = tpu.memref_slice %arg7[%dma_wait3A_203, %dma_wait3A_204] : memref<2x12864xi32, #tpu.memory_space<vmem>> -> memref<1x12864xi32, #tpu.memory_space<vmem>>
      %dma_wait3A_206 = tpu.memref_squeeze %dma_wait3A_205 : memref<1x12864xi32, #tpu.memory_space<vmem>> -> memref<12864xi32, #tpu.memory_space<vmem>>
      %dma_wait3A_207 = tpu.memref_slice %arg2[%mul3A_202] : memref<205824xi32, #tpu.memory_space<hbm>> -> memref<12864xi32, #tpu.memory_space<hbm>>
      %dma_wait3A_208 = arith.constant 0 : i32
      %dma_wait3A_209 = tpu.memref_slice %arg7[%dma_wait3A_203, %dma_wait3A_208] : memref<2x12864xi32, #tpu.memory_space<vmem>> -> memref<1x12864xi32, #tpu.memory_space<vmem>>
      %dma_wait3A_210 = tpu.memref_squeeze %dma_wait3A_209 : memref<1x12864xi32, #tpu.memory_space<vmem>> -> memref<12864xi32, #tpu.memory_space<vmem>>
      %dma_wait3A_211 = tpu.memref_slice %arg2[%mul3A_202] : memref<205824xi32, #tpu.memory_space<hbm>> -> memref<12864xi32, #tpu.memory_space<hbm>>
      tpu.wait_dma2 semaphore(%arg10 : memref<!tpu.dma_semaphore, #tpu.memory_space<semaphore_mem>>) src(%dma_wait3A_211 : memref<12864xi32, #tpu.memory_space<hbm>>) dst(%dma_wait3A_210 : memref<12864xi32, #tpu.memory_space<vmem>>)
      %scan3A_212 = arith.constant 0 : i32
      %scan3A_213 = arith.constant 200 : i32
      %scan3A_214 = arith.addi %scan3A_212, %scan3A_213 : i32
      %scan3A_215 = arith.constant 2 : i32
      %scan3A_216:8 = scf.for %scan3A_391 = %scan3A_212 to %scan3A_214 step %scan3A_215 iter_args(%scan3A_392 = %get3A_80, %scan3A_393 = %get3A_80, %scan3A_394 = %get3A_80, %scan3A_395 = %get3A_80, %scan3A_396 = %get3A_84, %scan3A_397 = %get3A_84, %scan3A_398 = %get3A_84, %scan3A_399 = %get3A_84) -> (vector<16xf32>, vector<16xf32>, vector<16xf32>, vector<16xf32>, vector<16xf32>, vector<16xf32>, vector<16xf32>, vector<16xf32>)  : i32 {
        %add3A_400 = vector.broadcast %scan3A_391 : i32 to vector<16xi32>
        %add3A_401 = arith.addi %add3A_6, %add3A_400 : vector<16xi32>
        %gather3A = arith.constant 0 : i32
        %gather3A_402 = arith.constant 0 : i32
        %gather3A_403 = tpu.memref_slice %arg7[%gather3A, %gather3A_402] : memref<2x12864xi32, #tpu.memory_space<vmem>> -> memref<1x12864xi32, #tpu.memory_space<vmem>>
        %gather3A_404 = tpu.memref_squeeze %gather3A_403 : memref<1x12864xi32, #tpu.memory_space<vmem>> -> memref<12864xi32, #tpu.memory_space<vmem>>
        %gather3A_405 = tpu.vector_load_idx %gather3A_404[%add3A_401] : memref<12864xi32, #tpu.memory_space<vmem>>[vector<16xi32>], vector<16xi32>,
        %shift_right_logical3A = arith.constant 7 : i32
        %shift_right_logical3A_406 = vector.broadcast %shift_right_logical3A : i32 to vector<16xi32>
        %shift_right_logical3A_407 = arith.shrui %gather3A_405, %shift_right_logical3A_406 : vector<16xi32>
        %and3A_408 = arith.constant 127 : i32
        %and3A_409 = vector.broadcast %and3A_408 : i32 to vector<16xi32>
        %and3A_410 = arith.andi %gather3A_405, %and3A_409 : vector<16xi32>
        %gather3A_411 = tpu.vector_load_idx %arg6[%shift_right_logical3A_407, %and3A_410] : memref<782x128xi32, #tpu.memory_space<vmem>>[vector<16xi32>, vector<16xi32>], vector<16xi32>,
        %and3A_412 = arith.constant -65536 : i32
        %and3A_413 = vector.broadcast %and3A_412 : i32 to vector<16xi32>
        %and3A_414 = arith.andi %gather3A_411, %and3A_413 : vector<16xi32>
        %bitcast3A = vector.bitcast %and3A_414 : vector<16xi32> to vector<16xf32>
        %shift_left3A = arith.constant 16 : i32
        %shift_left3A_415 = vector.broadcast %shift_left3A : i32 to vector<16xi32>
        %shift_left3A_416 = arith.shli %gather3A_411, %shift_left3A_415 : vector<16xi32>
        %bitcast3A_417 = vector.bitcast %shift_left3A_416 : vector<16xi32> to vector<16xf32>
        %add3A_418 = arith.addf %scan3A_392, %bitcast3A : vector<16xf32>
        %add3A_419 = arith.addf %scan3A_396, %bitcast3A_417 : vector<16xf32>
        %add3A_420 = vector.broadcast %scan3A_391 : i32 to vector<16xi32>
        %add3A_421 = arith.addi %add3A_9, %add3A_420 : vector<16xi32>
        %gather3A_422 = arith.constant 0 : i32
        %gather3A_423 = arith.constant 0 : i32
        %gather3A_424 = tpu.memref_slice %arg7[%gather3A_422, %gather3A_423] : memref<2x12864xi32, #tpu.memory_space<vmem>> -> memref<1x12864xi32, #tpu.memory_space<vmem>>
        %gather3A_425 = tpu.memref_squeeze %gather3A_424 : memref<1x12864xi32, #tpu.memory_space<vmem>> -> memref<12864xi32, #tpu.memory_space<vmem>>
        %gather3A_426 = tpu.vector_load_idx %gather3A_425[%add3A_421] : memref<12864xi32, #tpu.memory_space<vmem>>[vector<16xi32>], vector<16xi32>,
        %shift_right_logical3A_427 = arith.constant 7 : i32
        %shift_right_logical3A_428 = vector.broadcast %shift_right_logical3A_427 : i32 to vector<16xi32>
        %shift_right_logical3A_429 = arith.shrui %gather3A_426, %shift_right_logical3A_428 : vector<16xi32>
        %and3A_430 = arith.constant 127 : i32
        %and3A_431 = vector.broadcast %and3A_430 : i32 to vector<16xi32>
        %and3A_432 = arith.andi %gather3A_426, %and3A_431 : vector<16xi32>
        %gather3A_433 = tpu.vector_load_idx %arg6[%shift_right_logical3A_429, %and3A_432] : memref<782x128xi32, #tpu.memory_space<vmem>>[vector<16xi32>, vector<16xi32>], vector<16xi32>,
        %and3A_434 = arith.constant -65536 : i32
        %and3A_435 = vector.broadcast %and3A_434 : i32 to vector<16xi32>
        %and3A_436 = arith.andi %gather3A_433, %and3A_435 : vector<16xi32>
        %bitcast3A_437 = vector.bitcast %and3A_436 : vector<16xi32> to vector<16xf32>
        %shift_left3A_438 = arith.constant 16 : i32
        %shift_left3A_439 = vector.broadcast %shift_left3A_438 : i32 to vector<16xi32>
        %shift_left3A_440 = arith.shli %gather3A_433, %shift_left3A_439 : vector<16xi32>
        %bitcast3A_441 = vector.bitcast %shift_left3A_440 : vector<16xi32> to vector<16xf32>
        %add3A_442 = arith.addf %scan3A_393, %bitcast3A_437 : vector<16xf32>
        %add3A_443 = arith.addf %scan3A_397, %bitcast3A_441 : vector<16xf32>
        %add3A_444 = vector.broadcast %scan3A_391 : i32 to vector<16xi32>
        %add3A_445 = arith.addi %add3A_12, %add3A_444 : vector<16xi32>
        %gather3A_446 = arith.constant 0 : i32
        %gather3A_447 = arith.constant 0 : i32
        %gather3A_448 = tpu.memref_slice %arg7[%gather3A_446, %gather3A_447] : memref<2x12864xi32, #tpu.memory_space<vmem>> -> memref<1x12864xi32, #tpu.memory_space<vmem>>
        %gather3A_449 = tpu.memref_squeeze %gather3A_448 : memref<1x12864xi32, #tpu.memory_space<vmem>> -> memref<12864xi32, #tpu.memory_space<vmem>>
        %gather3A_450 = tpu.vector_load_idx %gather3A_449[%add3A_445] : memref<12864xi32, #tpu.memory_space<vmem>>[vector<16xi32>], vector<16xi32>,
        %shift_right_logical3A_451 = arith.constant 7 : i32
        %shift_right_logical3A_452 = vector.broadcast %shift_right_logical3A_451 : i32 to vector<16xi32>
        %shift_right_logical3A_453 = arith.shrui %gather3A_450, %shift_right_logical3A_452 : vector<16xi32>
        %and3A_454 = arith.constant 127 : i32
        %and3A_455 = vector.broadcast %and3A_454 : i32 to vector<16xi32>
        %and3A_456 = arith.andi %gather3A_450, %and3A_455 : vector<16xi32>
        %gather3A_457 = tpu.vector_load_idx %arg6[%shift_right_logical3A_453, %and3A_456] : memref<782x128xi32, #tpu.memory_space<vmem>>[vector<16xi32>, vector<16xi32>], vector<16xi32>,
        %and3A_458 = arith.constant -65536 : i32
        %and3A_459 = vector.broadcast %and3A_458 : i32 to vector<16xi32>
        %and3A_460 = arith.andi %gather3A_457, %and3A_459 : vector<16xi32>
        %bitcast3A_461 = vector.bitcast %and3A_460 : vector<16xi32> to vector<16xf32>
        %shift_left3A_462 = arith.constant 16 : i32
        %shift_left3A_463 = vector.broadcast %shift_left3A_462 : i32 to vector<16xi32>
        %shift_left3A_464 = arith.shli %gather3A_457, %shift_left3A_463 : vector<16xi32>
        %bitcast3A_465 = vector.bitcast %shift_left3A_464 : vector<16xi32> to vector<16xf32>
        %add3A_466 = arith.addf %scan3A_394, %bitcast3A_461 : vector<16xf32>
        %add3A_467 = arith.addf %scan3A_398, %bitcast3A_465 : vector<16xf32>
        %add3A_468 = vector.broadcast %scan3A_391 : i32 to vector<16xi32>
        %add3A_469 = arith.addi %add3A_15, %add3A_468 : vector<16xi32>
        %gather3A_470 = arith.constant 0 : i32
        %gather3A_471 = arith.constant 0 : i32
        %gather3A_472 = tpu.memref_slice %arg7[%gather3A_470, %gather3A_471] : memref<2x12864xi32, #tpu.memory_space<vmem>> -> memref<1x12864xi32, #tpu.memory_space<vmem>>
        %gather3A_473 = tpu.memref_squeeze %gather3A_472 : memref<1x12864xi32, #tpu.memory_space<vmem>> -> memref<12864xi32, #tpu.memory_space<vmem>>
        %gather3A_474 = tpu.vector_load_idx %gather3A_473[%add3A_469] : memref<12864xi32, #tpu.memory_space<vmem>>[vector<16xi32>], vector<16xi32>,
        %shift_right_logical3A_475 = arith.constant 7 : i32
        %shift_right_logical3A_476 = vector.broadcast %shift_right_logical3A_475 : i32 to vector<16xi32>
        %shift_right_logical3A_477 = arith.shrui %gather3A_474, %shift_right_logical3A_476 : vector<16xi32>
        %and3A_478 = arith.constant 127 : i32
        %and3A_479 = vector.broadcast %and3A_478 : i32 to vector<16xi32>
        %and3A_480 = arith.andi %gather3A_474, %and3A_479 : vector<16xi32>
        %gather3A_481 = tpu.vector_load_idx %arg6[%shift_right_logical3A_477, %and3A_480] : memref<782x128xi32, #tpu.memory_space<vmem>>[vector<16xi32>, vector<16xi32>], vector<16xi32>,
        %and3A_482 = arith.constant -65536 : i32
        %and3A_483 = vector.broadcast %and3A_482 : i32 to vector<16xi32>
        %and3A_484 = arith.andi %gather3A_481, %and3A_483 : vector<16xi32>
        %bitcast3A_485 = vector.bitcast %and3A_484 : vector<16xi32> to vector<16xf32>
        %shift_left3A_486 = arith.constant 16 : i32
        %shift_left3A_487 = vector.broadcast %shift_left3A_486 : i32 to vector<16xi32>
        %shift_left3A_488 = arith.shli %gather3A_481, %shift_left3A_487 : vector<16xi32>
        %bitcast3A_489 = vector.bitcast %shift_left3A_488 : vector<16xi32> to vector<16xf32>
        %add3A_490 = arith.addf %scan3A_395, %bitcast3A_485 : vector<16xf32>
        %add3A_491 = arith.addf %scan3A_399, %bitcast3A_489 : vector<16xf32>
        %scan3A_492 = arith.constant 1 : i32
        %scan3A_493 = arith.addi %scan3A_391, %scan3A_492 : i32
        %add3A_494 = vector.broadcast %scan3A_493 : i32 to vector<16xi32>
        %add3A_495 = arith.addi %add3A_6, %add3A_494 : vector<16xi32>
        %gather3A_496 = arith.constant 0 : i32
        %gather3A_497 = arith.constant 0 : i32
        %gather3A_498 = tpu.memref_slice %arg7[%gather3A_496, %gather3A_497] : memref<2x12864xi32, #tpu.memory_space<vmem>> -> memref<1x12864xi32, #tpu.memory_space<vmem>>
        %gather3A_499 = tpu.memref_squeeze %gather3A_498 : memref<1x12864xi32, #tpu.memory_space<vmem>> -> memref<12864xi32, #tpu.memory_space<vmem>>
        %gather3A_500 = tpu.vector_load_idx %gather3A_499[%add3A_495] : memref<12864xi32, #tpu.memory_space<vmem>>[vector<16xi32>], vector<16xi32>,
        %shift_right_logical3A_501 = arith.constant 7 : i32
        %shift_right_logical3A_502 = vector.broadcast %shift_right_logical3A_501 : i32 to vector<16xi32>
        %shift_right_logical3A_503 = arith.shrui %gather3A_500, %shift_right_logical3A_502 : vector<16xi32>
        %and3A_504 = arith.constant 127 : i32
        %and3A_505 = vector.broadcast %and3A_504 : i32 to vector<16xi32>
        %and3A_506 = arith.andi %gather3A_500, %and3A_505 : vector<16xi32>
        %gather3A_507 = tpu.vector_load_idx %arg6[%shift_right_logical3A_503, %and3A_506] : memref<782x128xi32, #tpu.memory_space<vmem>>[vector<16xi32>, vector<16xi32>], vector<16xi32>,
        %and3A_508 = arith.constant -65536 : i32
        %and3A_509 = vector.broadcast %and3A_508 : i32 to vector<16xi32>
        %and3A_510 = arith.andi %gather3A_507, %and3A_509 : vector<16xi32>
        %bitcast3A_511 = vector.bitcast %and3A_510 : vector<16xi32> to vector<16xf32>
        %shift_left3A_512 = arith.constant 16 : i32
        %shift_left3A_513 = vector.broadcast %shift_left3A_512 : i32 to vector<16xi32>
        %shift_left3A_514 = arith.shli %gather3A_507, %shift_left3A_513 : vector<16xi32>
        %bitcast3A_515 = vector.bitcast %shift_left3A_514 : vector<16xi32> to vector<16xf32>
        %add3A_516 = arith.addf %add3A_418, %bitcast3A_511 : vector<16xf32>
        %add3A_517 = arith.addf %add3A_419, %bitcast3A_515 : vector<16xf32>
        %add3A_518 = vector.broadcast %scan3A_493 : i32 to vector<16xi32>
        %add3A_519 = arith.addi %add3A_9, %add3A_518 : vector<16xi32>
        %gather3A_520 = arith.constant 0 : i32
        %gather3A_521 = arith.constant 0 : i32
        %gather3A_522 = tpu.memref_slice %arg7[%gather3A_520, %gather3A_521] : memref<2x12864xi32, #tpu.memory_space<vmem>> -> memref<1x12864xi32, #tpu.memory_space<vmem>>
        %gather3A_523 = tpu.memref_squeeze %gather3A_522 : memref<1x12864xi32, #tpu.memory_space<vmem>> -> memref<12864xi32, #tpu.memory_space<vmem>>
        %gather3A_524 = tpu.vector_load_idx %gather3A_523[%add3A_519] : memref<12864xi32, #tpu.memory_space<vmem>>[vector<16xi32>], vector<16xi32>,
        %shift_right_logical3A_525 = arith.constant 7 : i32
        %shift_right_logical3A_526 = vector.broadcast %shift_right_logical3A_525 : i32 to vector<16xi32>
        %shift_right_logical3A_527 = arith.shrui %gather3A_524, %shift_right_logical3A_526 : vector<16xi32>
        %and3A_528 = arith.constant 127 : i32
        %and3A_529 = vector.broadcast %and3A_528 : i32 to vector<16xi32>
        %and3A_530 = arith.andi %gather3A_524, %and3A_529 : vector<16xi32>
        %gather3A_531 = tpu.vector_load_idx %arg6[%shift_right_logical3A_527, %and3A_530] : memref<782x128xi32, #tpu.memory_space<vmem>>[vector<16xi32>, vector<16xi32>], vector<16xi32>,
        %and3A_532 = arith.constant -65536 : i32
        %and3A_533 = vector.broadcast %and3A_532 : i32 to vector<16xi32>
        %and3A_534 = arith.andi %gather3A_531, %and3A_533 : vector<16xi32>
        %bitcast3A_535 = vector.bitcast %and3A_534 : vector<16xi32> to vector<16xf32>
        %shift_left3A_536 = arith.constant 16 : i32
        %shift_left3A_537 = vector.broadcast %shift_left3A_536 : i32 to vector<16xi32>
        %shift_left3A_538 = arith.shli %gather3A_531, %shift_left3A_537 : vector<16xi32>
        %bitcast3A_539 = vector.bitcast %shift_left3A_538 : vector<16xi32> to vector<16xf32>
        %add3A_540 = arith.addf %add3A_442, %bitcast3A_535 : vector<16xf32>
        %add3A_541 = arith.addf %add3A_443, %bitcast3A_539 : vector<16xf32>
        %add3A_542 = vector.broadcast %scan3A_493 : i32 to vector<16xi32>
        %add3A_543 = arith.addi %add3A_12, %add3A_542 : vector<16xi32>
        %gather3A_544 = arith.constant 0 : i32
        %gather3A_545 = arith.constant 0 : i32
        %gather3A_546 = tpu.memref_slice %arg7[%gather3A_544, %gather3A_545] : memref<2x12864xi32, #tpu.memory_space<vmem>> -> memref<1x12864xi32, #tpu.memory_space<vmem>>
        %gather3A_547 = tpu.memref_squeeze %gather3A_546 : memref<1x12864xi32, #tpu.memory_space<vmem>> -> memref<12864xi32, #tpu.memory_space<vmem>>
        %gather3A_548 = tpu.vector_load_idx %gather3A_547[%add3A_543] : memref<12864xi32, #tpu.memory_space<vmem>>[vector<16xi32>], vector<16xi32>,
        %shift_right_logical3A_549 = arith.constant 7 : i32
        %shift_right_logical3A_550 = vector.broadcast %shift_right_logical3A_549 : i32 to vector<16xi32>
        %shift_right_logical3A_551 = arith.shrui %gather3A_548, %shift_right_logical3A_550 : vector<16xi32>
        %and3A_552 = arith.constant 127 : i32
        %and3A_553 = vector.broadcast %and3A_552 : i32 to vector<16xi32>
        %and3A_554 = arith.andi %gather3A_548, %and3A_553 : vector<16xi32>
        %gather3A_555 = tpu.vector_load_idx %arg6[%shift_right_logical3A_551, %and3A_554] : memref<782x128xi32, #tpu.memory_space<vmem>>[vector<16xi32>, vector<16xi32>], vector<16xi32>,
        %and3A_556 = arith.constant -65536 : i32
        %and3A_557 = vector.broadcast %and3A_556 : i32 to vector<16xi32>
        %and3A_558 = arith.andi %gather3A_555, %and3A_557 : vector<16xi32>
        %bitcast3A_559 = vector.bitcast %and3A_558 : vector<16xi32> to vector<16xf32>
        %shift_left3A_560 = arith.constant 16 : i32
        %shift_left3A_561 = vector.broadcast %shift_left3A_560 : i32 to vector<16xi32>
        %shift_left3A_562 = arith.shli %gather3A_555, %shift_left3A_561 : vector<16xi32>
        %bitcast3A_563 = vector.bitcast %shift_left3A_562 : vector<16xi32> to vector<16xf32>
        %add3A_564 = arith.addf %add3A_466, %bitcast3A_559 : vector<16xf32>
        %add3A_565 = arith.addf %add3A_467, %bitcast3A_563 : vector<16xf32>
        %add3A_566 = vector.broadcast %scan3A_493 : i32 to vector<16xi32>
        %add3A_567 = arith.addi %add3A_15, %add3A_566 : vector<16xi32>
        %gather3A_568 = arith.constant 0 : i32
        %gather3A_569 = arith.constant 0 : i32
        %gather3A_570 = tpu.memref_slice %arg7[%gather3A_568, %gather3A_569] : memref<2x12864xi32, #tpu.memory_space<vmem>> -> memref<1x12864xi32, #tpu.memory_space<vmem>>
        %gather3A_571 = tpu.memref_squeeze %gather3A_570 : memref<1x12864xi32, #tpu.memory_space<vmem>> -> memref<12864xi32, #tpu.memory_space<vmem>>
        %gather3A_572 = tpu.vector_load_idx %gather3A_571[%add3A_567] : memref<12864xi32, #tpu.memory_space<vmem>>[vector<16xi32>], vector<16xi32>,
        %shift_right_logical3A_573 = arith.constant 7 : i32
        %shift_right_logical3A_574 = vector.broadcast %shift_right_logical3A_573 : i32 to vector<16xi32>
        %shift_right_logical3A_575 = arith.shrui %gather3A_572, %shift_right_logical3A_574 : vector<16xi32>
        %and3A_576 = arith.constant 127 : i32
        %and3A_577 = vector.broadcast %and3A_576 : i32 to vector<16xi32>
        %and3A_578 = arith.andi %gather3A_572, %and3A_577 : vector<16xi32>
        %gather3A_579 = tpu.vector_load_idx %arg6[%shift_right_logical3A_575, %and3A_578] : memref<782x128xi32, #tpu.memory_space<vmem>>[vector<16xi32>, vector<16xi32>], vector<16xi32>,
        %and3A_580 = arith.constant -65536 : i32
        %and3A_581 = vector.broadcast %and3A_580 : i32 to vector<16xi32>
        %and3A_582 = arith.andi %gather3A_579, %and3A_581 : vector<16xi32>
        %bitcast3A_583 = vector.bitcast %and3A_582 : vector<16xi32> to vector<16xf32>
        %shift_left3A_584 = arith.constant 16 : i32
        %shift_left3A_585 = vector.broadcast %shift_left3A_584 : i32 to vector<16xi32>
        %shift_left3A_586 = arith.shli %gather3A_579, %shift_left3A_585 : vector<16xi32>
        %bitcast3A_587 = vector.bitcast %shift_left3A_586 : vector<16xi32> to vector<16xf32>
        %add3A_588 = arith.addf %add3A_490, %bitcast3A_583 : vector<16xf32>
        %add3A_589 = arith.addf %add3A_491, %bitcast3A_587 : vector<16xf32>
        scf.yield %add3A_516, %add3A_540, %add3A_564, %add3A_588, %add3A_517, %add3A_541, %add3A_565, %add3A_589 : vector<16xf32>, vector<16xf32>, vector<16xf32>, vector<16xf32>, vector<16xf32>, vector<16xf32>, vector<16xf32>, vector<16xf32>
      }
      %scan3A_217 = arith.constant 200 : i32
      %mul3A_218 = arith.constant 64 : i32
      %mul3A_219 = arith.muli %mul3A_200, %mul3A_218 : i32
      %add3A_220 = arith.constant 0 : i32
      %add3A_221 = arith.addi %mul3A_219, %add3A_220 : i32
      %swap3A_222 = arith.constant 0 : i32
      %swap3A_223 = arith.index_cast %swap3A_222 : i32 to index
      %swap3A_224 = arith.index_cast %add3A_221 : i32 to index
      %swap3A_225 = tpu.vector_load %arg8[%swap3A_223, %swap3A_224] {strides = array<i32>} : memref<2x1024xf32, #tpu.memory_space<vmem>>, vector<16xf32>,
      tpu.vector_store %arg8[%swap3A_223, %swap3A_224], %scan3A_216#0 {strides = array<i32>} : memref<2x1024xf32, #tpu.memory_space<vmem>>, vector<16xf32>,
      %mul3A_226 = arith.constant 64 : i32
      %mul3A_227 = arith.muli %mul3A_200, %mul3A_226 : i32
      %add3A_228 = arith.constant 0 : i32
      %add3A_229 = arith.addi %mul3A_227, %add3A_228 : i32
      %swap3A_230 = arith.constant 1 : i32
      %swap3A_231 = arith.index_cast %swap3A_230 : i32 to index
      %swap3A_232 = arith.index_cast %add3A_229 : i32 to index
      %swap3A_233 = tpu.vector_load %arg8[%swap3A_231, %swap3A_232] {strides = array<i32>} : memref<2x1024xf32, #tpu.memory_space<vmem>>, vector<16xf32>,
      tpu.vector_store %arg8[%swap3A_231, %swap3A_232], %scan3A_216#4 {strides = array<i32>} : memref<2x1024xf32, #tpu.memory_space<vmem>>, vector<16xf32>,
      %mul3A_234 = arith.constant 64 : i32
      %mul3A_235 = arith.muli %mul3A_200, %mul3A_234 : i32
      %add3A_236 = arith.constant 16 : i32
      %add3A_237 = arith.addi %mul3A_235, %add3A_236 : i32
      %swap3A_238 = arith.constant 0 : i32
      %swap3A_239 = arith.index_cast %swap3A_238 : i32 to index
      %swap3A_240 = arith.index_cast %add3A_237 : i32 to index
      %swap3A_241 = tpu.vector_load %arg8[%swap3A_239, %swap3A_240] {strides = array<i32>} : memref<2x1024xf32, #tpu.memory_space<vmem>>, vector<16xf32>,
      tpu.vector_store %arg8[%swap3A_239, %swap3A_240], %scan3A_216#1 {strides = array<i32>} : memref<2x1024xf32, #tpu.memory_space<vmem>>, vector<16xf32>,
      %mul3A_242 = arith.constant 64 : i32
      %mul3A_243 = arith.muli %mul3A_200, %mul3A_242 : i32
      %add3A_244 = arith.constant 16 : i32
      %add3A_245 = arith.addi %mul3A_243, %add3A_244 : i32
      %swap3A_246 = arith.constant 1 : i32
      %swap3A_247 = arith.index_cast %swap3A_246 : i32 to index
      %swap3A_248 = arith.index_cast %add3A_245 : i32 to index
      %swap3A_249 = tpu.vector_load %arg8[%swap3A_247, %swap3A_248] {strides = array<i32>} : memref<2x1024xf32, #tpu.memory_space<vmem>>, vector<16xf32>,
      tpu.vector_store %arg8[%swap3A_247, %swap3A_248], %scan3A_216#5 {strides = array<i32>} : memref<2x1024xf32, #tpu.memory_space<vmem>>, vector<16xf32>,
      %mul3A_250 = arith.constant 64 : i32
      %mul3A_251 = arith.muli %mul3A_200, %mul3A_250 : i32
      %add3A_252 = arith.constant 32 : i32
      %add3A_253 = arith.addi %mul3A_251, %add3A_252 : i32
      %swap3A_254 = arith.constant 0 : i32
      %swap3A_255 = arith.index_cast %swap3A_254 : i32 to index
      %swap3A_256 = arith.index_cast %add3A_253 : i32 to index
      %swap3A_257 = tpu.vector_load %arg8[%swap3A_255, %swap3A_256] {strides = array<i32>} : memref<2x1024xf32, #tpu.memory_space<vmem>>, vector<16xf32>,
      tpu.vector_store %arg8[%swap3A_255, %swap3A_256], %scan3A_216#2 {strides = array<i32>} : memref<2x1024xf32, #tpu.memory_space<vmem>>, vector<16xf32>,
      %mul3A_258 = arith.constant 64 : i32
      %mul3A_259 = arith.muli %mul3A_200, %mul3A_258 : i32
      %add3A_260 = arith.constant 32 : i32
      %add3A_261 = arith.addi %mul3A_259, %add3A_260 : i32
      %swap3A_262 = arith.constant 1 : i32
      %swap3A_263 = arith.index_cast %swap3A_262 : i32 to index
      %swap3A_264 = arith.index_cast %add3A_261 : i32 to index
      %swap3A_265 = tpu.vector_load %arg8[%swap3A_263, %swap3A_264] {strides = array<i32>} : memref<2x1024xf32, #tpu.memory_space<vmem>>, vector<16xf32>,
      tpu.vector_store %arg8[%swap3A_263, %swap3A_264], %scan3A_216#6 {strides = array<i32>} : memref<2x1024xf32, #tpu.memory_space<vmem>>, vector<16xf32>,
      %mul3A_266 = arith.constant 64 : i32
      %mul3A_267 = arith.muli %mul3A_200, %mul3A_266 : i32
      %add3A_268 = arith.constant 48 : i32
      %add3A_269 = arith.addi %mul3A_267, %add3A_268 : i32
      %swap3A_270 = arith.constant 0 : i32
      %swap3A_271 = arith.index_cast %swap3A_270 : i32 to index
      %swap3A_272 = arith.index_cast %add3A_269 : i32 to index
      %swap3A_273 = tpu.vector_load %arg8[%swap3A_271, %swap3A_272] {strides = array<i32>} : memref<2x1024xf32, #tpu.memory_space<vmem>>, vector<16xf32>,
      tpu.vector_store %arg8[%swap3A_271, %swap3A_272], %scan3A_216#3 {strides = array<i32>} : memref<2x1024xf32, #tpu.memory_space<vmem>>, vector<16xf32>,
      %mul3A_274 = arith.constant 64 : i32
      %mul3A_275 = arith.muli %mul3A_200, %mul3A_274 : i32
      %add3A_276 = arith.constant 48 : i32
      %add3A_277 = arith.addi %mul3A_275, %add3A_276 : i32
      %swap3A_278 = arith.constant 1 : i32
      %swap3A_279 = arith.index_cast %swap3A_278 : i32 to index
      %swap3A_280 = arith.index_cast %add3A_277 : i32 to index
      %swap3A_281 = tpu.vector_load %arg8[%swap3A_279, %swap3A_280] {strides = array<i32>} : memref<2x1024xf32, #tpu.memory_space<vmem>>, vector<16xf32>,
      tpu.vector_store %arg8[%swap3A_279, %swap3A_280], %scan3A_216#7 {strides = array<i32>} : memref<2x1024xf32, #tpu.memory_space<vmem>>, vector<16xf32>,
      %add3A_282 = arith.constant 2 : i32
      %add3A_283 = arith.addi %mul3A_200, %add3A_282 : i32
      %mul3A_284 = arith.constant 12864 : i32
      %mul3A_285 = arith.muli %add3A_283, %mul3A_284 : i32
      %dma_start3A_286 = arith.constant 0 : i32
      %dma_start3A_287 = arith.constant 0 : i32
      %dma_start3A_288 = tpu.memref_slice %arg7[%dma_start3A_286, %dma_start3A_287] : memref<2x12864xi32, #tpu.memory_space<vmem>> -> memref<1x12864xi32, #tpu.memory_space<vmem>>
      %dma_start3A_289 = tpu.memref_squeeze %dma_start3A_288 : memref<1x12864xi32, #tpu.memory_space<vmem>> -> memref<12864xi32, #tpu.memory_space<vmem>>
      %dma_start3A_290 = tpu.memref_slice %arg2[%mul3A_285] : memref<205824xi32, #tpu.memory_space<hbm>> -> memref<12864xi32, #tpu.memory_space<hbm>>
      %dma_start3A_291 = arith.constant 0 : i32
      %dma_start3A_292 = tpu.memref_slice %arg7[%dma_start3A_286, %dma_start3A_291] : memref<2x12864xi32, #tpu.memory_space<vmem>> -> memref<1x12864xi32, #tpu.memory_space<vmem>>
      %dma_start3A_293 = tpu.memref_squeeze %dma_start3A_292 : memref<1x12864xi32, #tpu.memory_space<vmem>> -> memref<12864xi32, #tpu.memory_space<vmem>>
      %dma_start3A_294 = tpu.memref_slice %arg2[%mul3A_285] : memref<205824xi32, #tpu.memory_space<hbm>> -> memref<12864xi32, #tpu.memory_space<hbm>>
      tpu.enqueue_dma source(%dma_start3A_294 : memref<12864xi32, #tpu.memory_space<hbm>>) target(%dma_start3A_293 : memref<12864xi32, #tpu.memory_space<vmem>>) target_semaphore(%arg10 : memref<!tpu.dma_semaphore, #tpu.memory_space<semaphore_mem>>)
      %add3A_295 = arith.constant 1 : i32
      %add3A_296 = arith.addi %mul3A_200, %add3A_295 : i32
      %mul3A_297 = arith.constant 12864 : i32
      %mul3A_298 = arith.muli %add3A_296, %mul3A_297 : i32
      %dma_wait3A_299 = arith.constant 1 : i32
      %dma_wait3A_300 = arith.constant 0 : i32
      %dma_wait3A_301 = tpu.memref_slice %arg7[%dma_wait3A_299, %dma_wait3A_300] : memref<2x12864xi32, #tpu.memory_space<vmem>> -> memref<1x12864xi32, #tpu.memory_space<vmem>>
      %dma_wait3A_302 = tpu.memref_squeeze %dma_wait3A_301 : memref<1x12864xi32, #tpu.memory_space<vmem>> -> memref<12864xi32, #tpu.memory_space<vmem>>
      %dma_wait3A_303 = tpu.memref_slice %arg2[%mul3A_298] : memref<205824xi32, #tpu.memory_space<hbm>> -> memref<12864xi32, #tpu.memory_space<hbm>>
      %dma_wait3A_304 = arith.constant 0 : i32
      %dma_wait3A_305 = tpu.memref_slice %arg7[%dma_wait3A_299, %dma_wait3A_304] : memref<2x12864xi32, #tpu.memory_space<vmem>> -> memref<1x12864xi32, #tpu.memory_space<vmem>>
      %dma_wait3A_306 = tpu.memref_squeeze %dma_wait3A_305 : memref<1x12864xi32, #tpu.memory_space<vmem>> -> memref<12864xi32, #tpu.memory_space<vmem>>
      %dma_wait3A_307 = tpu.memref_slice %arg2[%mul3A_298] : memref<205824xi32, #tpu.memory_space<hbm>> -> memref<12864xi32, #tpu.memory_space<hbm>>
      tpu.wait_dma2 semaphore(%arg11 : memref<!tpu.dma_semaphore, #tpu.memory_space<semaphore_mem>>) src(%dma_wait3A_307 : memref<12864xi32, #tpu.memory_space<hbm>>) dst(%dma_wait3A_306 : memref<12864xi32, #tpu.memory_space<vmem>>)
      %scan3A_308 = arith.constant 0 : i32
      %scan3A_309 = arith.constant 200 : i32
      %scan3A_310 = arith.addi %scan3A_308, %scan3A_309 : i32
      %scan3A_311 = arith.constant 2 : i32
      %scan3A_312:8 = scf.for %scan3A_391 = %scan3A_308 to %scan3A_310 step %scan3A_311 iter_args(%scan3A_392 = %get3A_80, %scan3A_393 = %get3A_80, %scan3A_394 = %get3A_80, %scan3A_395 = %get3A_80, %scan3A_396 = %get3A_84, %scan3A_397 = %get3A_84, %scan3A_398 = %get3A_84, %scan3A_399 = %get3A_84) -> (vector<16xf32>, vector<16xf32>, vector<16xf32>, vector<16xf32>, vector<16xf32>, vector<16xf32>, vector<16xf32>, vector<16xf32>)  : i32 {
        %add3A_400 = vector.broadcast %scan3A_391 : i32 to vector<16xi32>
        %add3A_401 = arith.addi %add3A_6, %add3A_400 : vector<16xi32>
        %gather3A = arith.constant 1 : i32
        %gather3A_402 = arith.constant 0 : i32
        %gather3A_403 = tpu.memref_slice %arg7[%gather3A, %gather3A_402] : memref<2x12864xi32, #tpu.memory_space<vmem>> -> memref<1x12864xi32, #tpu.memory_space<vmem>>
        %gather3A_404 = tpu.memref_squeeze %gather3A_403 : memref<1x12864xi32, #tpu.memory_space<vmem>> -> memref<12864xi32, #tpu.memory_space<vmem>>
        %gather3A_405 = tpu.vector_load_idx %gather3A_404[%add3A_401] : memref<12864xi32, #tpu.memory_space<vmem>>[vector<16xi32>], vector<16xi32>,
        %shift_right_logical3A = arith.constant 7 : i32
        %shift_right_logical3A_406 = vector.broadcast %shift_right_logical3A : i32 to vector<16xi32>
        %shift_right_logical3A_407 = arith.shrui %gather3A_405, %shift_right_logical3A_406 : vector<16xi32>
        %and3A_408 = arith.constant 127 : i32
        %and3A_409 = vector.broadcast %and3A_408 : i32 to vector<16xi32>
        %and3A_410 = arith.andi %gather3A_405, %and3A_409 : vector<16xi32>
        %gather3A_411 = tpu.vector_load_idx %arg6[%shift_right_logical3A_407, %and3A_410] : memref<782x128xi32, #tpu.memory_space<vmem>>[vector<16xi32>, vector<16xi32>], vector<16xi32>,
        %and3A_412 = arith.constant -65536 : i32
        %and3A_413 = vector.broadcast %and3A_412 : i32 to vector<16xi32>
        %and3A_414 = arith.andi %gather3A_411, %and3A_413 : vector<16xi32>
        %bitcast3A = vector.bitcast %and3A_414 : vector<16xi32> to vector<16xf32>
        %shift_left3A = arith.constant 16 : i32
        %shift_left3A_415 = vector.broadcast %shift_left3A : i32 to vector<16xi32>
        %shift_left3A_416 = arith.shli %gather3A_411, %shift_left3A_415 : vector<16xi32>
        %bitcast3A_417 = vector.bitcast %shift_left3A_416 : vector<16xi32> to vector<16xf32>
        %add3A_418 = arith.addf %scan3A_392, %bitcast3A : vector<16xf32>
        %add3A_419 = arith.addf %scan3A_396, %bitcast3A_417 : vector<16xf32>
        %add3A_420 = vector.broadcast %scan3A_391 : i32 to vector<16xi32>
        %add3A_421 = arith.addi %add3A_9, %add3A_420 : vector<16xi32>
        %gather3A_422 = arith.constant 1 : i32
        %gather3A_423 = arith.constant 0 : i32
        %gather3A_424 = tpu.memref_slice %arg7[%gather3A_422, %gather3A_423] : memref<2x12864xi32, #tpu.memory_space<vmem>> -> memref<1x12864xi32, #tpu.memory_space<vmem>>
        %gather3A_425 = tpu.memref_squeeze %gather3A_424 : memref<1x12864xi32, #tpu.memory_space<vmem>> -> memref<12864xi32, #tpu.memory_space<vmem>>
        %gather3A_426 = tpu.vector_load_idx %gather3A_425[%add3A_421] : memref<12864xi32, #tpu.memory_space<vmem>>[vector<16xi32>], vector<16xi32>,
        %shift_right_logical3A_427 = arith.constant 7 : i32
        %shift_right_logical3A_428 = vector.broadcast %shift_right_logical3A_427 : i32 to vector<16xi32>
        %shift_right_logical3A_429 = arith.shrui %gather3A_426, %shift_right_logical3A_428 : vector<16xi32>
        %and3A_430 = arith.constant 127 : i32
        %and3A_431 = vector.broadcast %and3A_430 : i32 to vector<16xi32>
        %and3A_432 = arith.andi %gather3A_426, %and3A_431 : vector<16xi32>
        %gather3A_433 = tpu.vector_load_idx %arg6[%shift_right_logical3A_429, %and3A_432] : memref<782x128xi32, #tpu.memory_space<vmem>>[vector<16xi32>, vector<16xi32>], vector<16xi32>,
        %and3A_434 = arith.constant -65536 : i32
        %and3A_435 = vector.broadcast %and3A_434 : i32 to vector<16xi32>
        %and3A_436 = arith.andi %gather3A_433, %and3A_435 : vector<16xi32>
        %bitcast3A_437 = vector.bitcast %and3A_436 : vector<16xi32> to vector<16xf32>
        %shift_left3A_438 = arith.constant 16 : i32
        %shift_left3A_439 = vector.broadcast %shift_left3A_438 : i32 to vector<16xi32>
        %shift_left3A_440 = arith.shli %gather3A_433, %shift_left3A_439 : vector<16xi32>
        %bitcast3A_441 = vector.bitcast %shift_left3A_440 : vector<16xi32> to vector<16xf32>
        %add3A_442 = arith.addf %scan3A_393, %bitcast3A_437 : vector<16xf32>
        %add3A_443 = arith.addf %scan3A_397, %bitcast3A_441 : vector<16xf32>
        %add3A_444 = vector.broadcast %scan3A_391 : i32 to vector<16xi32>
        %add3A_445 = arith.addi %add3A_12, %add3A_444 : vector<16xi32>
        %gather3A_446 = arith.constant 1 : i32
        %gather3A_447 = arith.constant 0 : i32
        %gather3A_448 = tpu.memref_slice %arg7[%gather3A_446, %gather3A_447] : memref<2x12864xi32, #tpu.memory_space<vmem>> -> memref<1x12864xi32, #tpu.memory_space<vmem>>
        %gather3A_449 = tpu.memref_squeeze %gather3A_448 : memref<1x12864xi32, #tpu.memory_space<vmem>> -> memref<12864xi32, #tpu.memory_space<vmem>>
        %gather3A_450 = tpu.vector_load_idx %gather3A_449[%add3A_445] : memref<12864xi32, #tpu.memory_space<vmem>>[vector<16xi32>], vector<16xi32>,
        %shift_right_logical3A_451 = arith.constant 7 : i32
        %shift_right_logical3A_452 = vector.broadcast %shift_right_logical3A_451 : i32 to vector<16xi32>
        %shift_right_logical3A_453 = arith.shrui %gather3A_450, %shift_right_logical3A_452 : vector<16xi32>
        %and3A_454 = arith.constant 127 : i32
        %and3A_455 = vector.broadcast %and3A_454 : i32 to vector<16xi32>
        %and3A_456 = arith.andi %gather3A_450, %and3A_455 : vector<16xi32>
        %gather3A_457 = tpu.vector_load_idx %arg6[%shift_right_logical3A_453, %and3A_456] : memref<782x128xi32, #tpu.memory_space<vmem>>[vector<16xi32>, vector<16xi32>], vector<16xi32>,
        %and3A_458 = arith.constant -65536 : i32
        %and3A_459 = vector.broadcast %and3A_458 : i32 to vector<16xi32>
        %and3A_460 = arith.andi %gather3A_457, %and3A_459 : vector<16xi32>
        %bitcast3A_461 = vector.bitcast %and3A_460 : vector<16xi32> to vector<16xf32>
        %shift_left3A_462 = arith.constant 16 : i32
        %shift_left3A_463 = vector.broadcast %shift_left3A_462 : i32 to vector<16xi32>
        %shift_left3A_464 = arith.shli %gather3A_457, %shift_left3A_463 : vector<16xi32>
        %bitcast3A_465 = vector.bitcast %shift_left3A_464 : vector<16xi32> to vector<16xf32>
        %add3A_466 = arith.addf %scan3A_394, %bitcast3A_461 : vector<16xf32>
        %add3A_467 = arith.addf %scan3A_398, %bitcast3A_465 : vector<16xf32>
        %add3A_468 = vector.broadcast %scan3A_391 : i32 to vector<16xi32>
        %add3A_469 = arith.addi %add3A_15, %add3A_468 : vector<16xi32>
        %gather3A_470 = arith.constant 1 : i32
        %gather3A_471 = arith.constant 0 : i32
        %gather3A_472 = tpu.memref_slice %arg7[%gather3A_470, %gather3A_471] : memref<2x12864xi32, #tpu.memory_space<vmem>> -> memref<1x12864xi32, #tpu.memory_space<vmem>>
        %gather3A_473 = tpu.memref_squeeze %gather3A_472 : memref<1x12864xi32, #tpu.memory_space<vmem>> -> memref<12864xi32, #tpu.memory_space<vmem>>
        %gather3A_474 = tpu.vector_load_idx %gather3A_473[%add3A_469] : memref<12864xi32, #tpu.memory_space<vmem>>[vector<16xi32>], vector<16xi32>,
        %shift_right_logical3A_475 = arith.constant 7 : i32
        %shift_right_logical3A_476 = vector.broadcast %shift_right_logical3A_475 : i32 to vector<16xi32>
        %shift_right_logical3A_477 = arith.shrui %gather3A_474, %shift_right_logical3A_476 : vector<16xi32>
        %and3A_478 = arith.constant 127 : i32
        %and3A_479 = vector.broadcast %and3A_478 : i32 to vector<16xi32>
        %and3A_480 = arith.andi %gather3A_474, %and3A_479 : vector<16xi32>
        %gather3A_481 = tpu.vector_load_idx %arg6[%shift_right_logical3A_477, %and3A_480] : memref<782x128xi32, #tpu.memory_space<vmem>>[vector<16xi32>, vector<16xi32>], vector<16xi32>,
        %and3A_482 = arith.constant -65536 : i32
        %and3A_483 = vector.broadcast %and3A_482 : i32 to vector<16xi32>
        %and3A_484 = arith.andi %gather3A_481, %and3A_483 : vector<16xi32>
        %bitcast3A_485 = vector.bitcast %and3A_484 : vector<16xi32> to vector<16xf32>
        %shift_left3A_486 = arith.constant 16 : i32
        %shift_left3A_487 = vector.broadcast %shift_left3A_486 : i32 to vector<16xi32>
        %shift_left3A_488 = arith.shli %gather3A_481, %shift_left3A_487 : vector<16xi32>
        %bitcast3A_489 = vector.bitcast %shift_left3A_488 : vector<16xi32> to vector<16xf32>
        %add3A_490 = arith.addf %scan3A_395, %bitcast3A_485 : vector<16xf32>
        %add3A_491 = arith.addf %scan3A_399, %bitcast3A_489 : vector<16xf32>
        %scan3A_492 = arith.constant 1 : i32
        %scan3A_493 = arith.addi %scan3A_391, %scan3A_492 : i32
        %add3A_494 = vector.broadcast %scan3A_493 : i32 to vector<16xi32>
        %add3A_495 = arith.addi %add3A_6, %add3A_494 : vector<16xi32>
        %gather3A_496 = arith.constant 1 : i32
        %gather3A_497 = arith.constant 0 : i32
        %gather3A_498 = tpu.memref_slice %arg7[%gather3A_496, %gather3A_497] : memref<2x12864xi32, #tpu.memory_space<vmem>> -> memref<1x12864xi32, #tpu.memory_space<vmem>>
        %gather3A_499 = tpu.memref_squeeze %gather3A_498 : memref<1x12864xi32, #tpu.memory_space<vmem>> -> memref<12864xi32, #tpu.memory_space<vmem>>
        %gather3A_500 = tpu.vector_load_idx %gather3A_499[%add3A_495] : memref<12864xi32, #tpu.memory_space<vmem>>[vector<16xi32>], vector<16xi32>,
        %shift_right_logical3A_501 = arith.constant 7 : i32
        %shift_right_logical3A_502 = vector.broadcast %shift_right_logical3A_501 : i32 to vector<16xi32>
        %shift_right_logical3A_503 = arith.shrui %gather3A_500, %shift_right_logical3A_502 : vector<16xi32>
        %and3A_504 = arith.constant 127 : i32
        %and3A_505 = vector.broadcast %and3A_504 : i32 to vector<16xi32>
        %and3A_506 = arith.andi %gather3A_500, %and3A_505 : vector<16xi32>
        %gather3A_507 = tpu.vector_load_idx %arg6[%shift_right_logical3A_503, %and3A_506] : memref<782x128xi32, #tpu.memory_space<vmem>>[vector<16xi32>, vector<16xi32>], vector<16xi32>,
        %and3A_508 = arith.constant -65536 : i32
        %and3A_509 = vector.broadcast %and3A_508 : i32 to vector<16xi32>
        %and3A_510 = arith.andi %gather3A_507, %and3A_509 : vector<16xi32>
        %bitcast3A_511 = vector.bitcast %and3A_510 : vector<16xi32> to vector<16xf32>
        %shift_left3A_512 = arith.constant 16 : i32
        %shift_left3A_513 = vector.broadcast %shift_left3A_512 : i32 to vector<16xi32>
        %shift_left3A_514 = arith.shli %gather3A_507, %shift_left3A_513 : vector<16xi32>
        %bitcast3A_515 = vector.bitcast %shift_left3A_514 : vector<16xi32> to vector<16xf32>
        %add3A_516 = arith.addf %add3A_418, %bitcast3A_511 : vector<16xf32>
        %add3A_517 = arith.addf %add3A_419, %bitcast3A_515 : vector<16xf32>
        %add3A_518 = vector.broadcast %scan3A_493 : i32 to vector<16xi32>
        %add3A_519 = arith.addi %add3A_9, %add3A_518 : vector<16xi32>
        %gather3A_520 = arith.constant 1 : i32
        %gather3A_521 = arith.constant 0 : i32
        %gather3A_522 = tpu.memref_slice %arg7[%gather3A_520, %gather3A_521] : memref<2x12864xi32, #tpu.memory_space<vmem>> -> memref<1x12864xi32, #tpu.memory_space<vmem>>
        %gather3A_523 = tpu.memref_squeeze %gather3A_522 : memref<1x12864xi32, #tpu.memory_space<vmem>> -> memref<12864xi32, #tpu.memory_space<vmem>>
        %gather3A_524 = tpu.vector_load_idx %gather3A_523[%add3A_519] : memref<12864xi32, #tpu.memory_space<vmem>>[vector<16xi32>], vector<16xi32>,
        %shift_right_logical3A_525 = arith.constant 7 : i32
        %shift_right_logical3A_526 = vector.broadcast %shift_right_logical3A_525 : i32 to vector<16xi32>
        %shift_right_logical3A_527 = arith.shrui %gather3A_524, %shift_right_logical3A_526 : vector<16xi32>
        %and3A_528 = arith.constant 127 : i32
        %and3A_529 = vector.broadcast %and3A_528 : i32 to vector<16xi32>
        %and3A_530 = arith.andi %gather3A_524, %and3A_529 : vector<16xi32>
        %gather3A_531 = tpu.vector_load_idx %arg6[%shift_right_logical3A_527, %and3A_530] : memref<782x128xi32, #tpu.memory_space<vmem>>[vector<16xi32>, vector<16xi32>], vector<16xi32>,
        %and3A_532 = arith.constant -65536 : i32
        %and3A_533 = vector.broadcast %and3A_532 : i32 to vector<16xi32>
        %and3A_534 = arith.andi %gather3A_531, %and3A_533 : vector<16xi32>
        %bitcast3A_535 = vector.bitcast %and3A_534 : vector<16xi32> to vector<16xf32>
        %shift_left3A_536 = arith.constant 16 : i32
        %shift_left3A_537 = vector.broadcast %shift_left3A_536 : i32 to vector<16xi32>
        %shift_left3A_538 = arith.shli %gather3A_531, %shift_left3A_537 : vector<16xi32>
        %bitcast3A_539 = vector.bitcast %shift_left3A_538 : vector<16xi32> to vector<16xf32>
        %add3A_540 = arith.addf %add3A_442, %bitcast3A_535 : vector<16xf32>
        %add3A_541 = arith.addf %add3A_443, %bitcast3A_539 : vector<16xf32>
        %add3A_542 = vector.broadcast %scan3A_493 : i32 to vector<16xi32>
        %add3A_543 = arith.addi %add3A_12, %add3A_542 : vector<16xi32>
        %gather3A_544 = arith.constant 1 : i32
        %gather3A_545 = arith.constant 0 : i32
        %gather3A_546 = tpu.memref_slice %arg7[%gather3A_544, %gather3A_545] : memref<2x12864xi32, #tpu.memory_space<vmem>> -> memref<1x12864xi32, #tpu.memory_space<vmem>>
        %gather3A_547 = tpu.memref_squeeze %gather3A_546 : memref<1x12864xi32, #tpu.memory_space<vmem>> -> memref<12864xi32, #tpu.memory_space<vmem>>
        %gather3A_548 = tpu.vector_load_idx %gather3A_547[%add3A_543] : memref<12864xi32, #tpu.memory_space<vmem>>[vector<16xi32>], vector<16xi32>,
        %shift_right_logical3A_549 = arith.constant 7 : i32
        %shift_right_logical3A_550 = vector.broadcast %shift_right_logical3A_549 : i32 to vector<16xi32>
        %shift_right_logical3A_551 = arith.shrui %gather3A_548, %shift_right_logical3A_550 : vector<16xi32>
        %and3A_552 = arith.constant 127 : i32
        %and3A_553 = vector.broadcast %and3A_552 : i32 to vector<16xi32>
        %and3A_554 = arith.andi %gather3A_548, %and3A_553 : vector<16xi32>
        %gather3A_555 = tpu.vector_load_idx %arg6[%shift_right_logical3A_551, %and3A_554] : memref<782x128xi32, #tpu.memory_space<vmem>>[vector<16xi32>, vector<16xi32>], vector<16xi32>,
        %and3A_556 = arith.constant -65536 : i32
        %and3A_557 = vector.broadcast %and3A_556 : i32 to vector<16xi32>
        %and3A_558 = arith.andi %gather3A_555, %and3A_557 : vector<16xi32>
        %bitcast3A_559 = vector.bitcast %and3A_558 : vector<16xi32> to vector<16xf32>
        %shift_left3A_560 = arith.constant 16 : i32
        %shift_left3A_561 = vector.broadcast %shift_left3A_560 : i32 to vector<16xi32>
        %shift_left3A_562 = arith.shli %gather3A_555, %shift_left3A_561 : vector<16xi32>
        %bitcast3A_563 = vector.bitcast %shift_left3A_562 : vector<16xi32> to vector<16xf32>
        %add3A_564 = arith.addf %add3A_466, %bitcast3A_559 : vector<16xf32>
        %add3A_565 = arith.addf %add3A_467, %bitcast3A_563 : vector<16xf32>
        %add3A_566 = vector.broadcast %scan3A_493 : i32 to vector<16xi32>
        %add3A_567 = arith.addi %add3A_15, %add3A_566 : vector<16xi32>
        %gather3A_568 = arith.constant 1 : i32
        %gather3A_569 = arith.constant 0 : i32
        %gather3A_570 = tpu.memref_slice %arg7[%gather3A_568, %gather3A_569] : memref<2x12864xi32, #tpu.memory_space<vmem>> -> memref<1x12864xi32, #tpu.memory_space<vmem>>
        %gather3A_571 = tpu.memref_squeeze %gather3A_570 : memref<1x12864xi32, #tpu.memory_space<vmem>> -> memref<12864xi32, #tpu.memory_space<vmem>>
        %gather3A_572 = tpu.vector_load_idx %gather3A_571[%add3A_567] : memref<12864xi32, #tpu.memory_space<vmem>>[vector<16xi32>], vector<16xi32>,
        %shift_right_logical3A_573 = arith.constant 7 : i32
        %shift_right_logical3A_574 = vector.broadcast %shift_right_logical3A_573 : i32 to vector<16xi32>
        %shift_right_logical3A_575 = arith.shrui %gather3A_572, %shift_right_logical3A_574 : vector<16xi32>
        %and3A_576 = arith.constant 127 : i32
        %and3A_577 = vector.broadcast %and3A_576 : i32 to vector<16xi32>
        %and3A_578 = arith.andi %gather3A_572, %and3A_577 : vector<16xi32>
        %gather3A_579 = tpu.vector_load_idx %arg6[%shift_right_logical3A_575, %and3A_578] : memref<782x128xi32, #tpu.memory_space<vmem>>[vector<16xi32>, vector<16xi32>], vector<16xi32>,
        %and3A_580 = arith.constant -65536 : i32
        %and3A_581 = vector.broadcast %and3A_580 : i32 to vector<16xi32>
        %and3A_582 = arith.andi %gather3A_579, %and3A_581 : vector<16xi32>
        %bitcast3A_583 = vector.bitcast %and3A_582 : vector<16xi32> to vector<16xf32>
        %shift_left3A_584 = arith.constant 16 : i32
        %shift_left3A_585 = vector.broadcast %shift_left3A_584 : i32 to vector<16xi32>
        %shift_left3A_586 = arith.shli %gather3A_579, %shift_left3A_585 : vector<16xi32>
        %bitcast3A_587 = vector.bitcast %shift_left3A_586 : vector<16xi32> to vector<16xf32>
        %add3A_588 = arith.addf %add3A_490, %bitcast3A_583 : vector<16xf32>
        %add3A_589 = arith.addf %add3A_491, %bitcast3A_587 : vector<16xf32>
        scf.yield %add3A_516, %add3A_540, %add3A_564, %add3A_588, %add3A_517, %add3A_541, %add3A_565, %add3A_589 : vector<16xf32>, vector<16xf32>, vector<16xf32>, vector<16xf32>, vector<16xf32>, vector<16xf32>, vector<16xf32>, vector<16xf32>
      }
      %scan3A_313 = arith.constant 200 : i32
      %mul3A_314 = arith.constant 64 : i32
      %mul3A_315 = arith.muli %add3A_296, %mul3A_314 : i32
      %add3A_316 = arith.constant 0 : i32
      %add3A_317 = arith.addi %mul3A_315, %add3A_316 : i32
      %swap3A_318 = arith.constant 0 : i32
      %swap3A_319 = arith.index_cast %swap3A_318 : i32 to index
      %swap3A_320 = arith.index_cast %add3A_317 : i32 to index
      %swap3A_321 = tpu.vector_load %arg8[%swap3A_319, %swap3A_320] {strides = array<i32>} : memref<2x1024xf32, #tpu.memory_space<vmem>>, vector<16xf32>,
      tpu.vector_store %arg8[%swap3A_319, %swap3A_320], %scan3A_312#0 {strides = array<i32>} : memref<2x1024xf32, #tpu.memory_space<vmem>>, vector<16xf32>,
      %mul3A_322 = arith.constant 64 : i32
      %mul3A_323 = arith.muli %add3A_296, %mul3A_322 : i32
      %add3A_324 = arith.constant 0 : i32
      %add3A_325 = arith.addi %mul3A_323, %add3A_324 : i32
      %swap3A_326 = arith.constant 1 : i32
      %swap3A_327 = arith.index_cast %swap3A_326 : i32 to index
      %swap3A_328 = arith.index_cast %add3A_325 : i32 to index
      %swap3A_329 = tpu.vector_load %arg8[%swap3A_327, %swap3A_328] {strides = array<i32>} : memref<2x1024xf32, #tpu.memory_space<vmem>>, vector<16xf32>,
      tpu.vector_store %arg8[%swap3A_327, %swap3A_328], %scan3A_312#4 {strides = array<i32>} : memref<2x1024xf32, #tpu.memory_space<vmem>>, vector<16xf32>,
      %mul3A_330 = arith.constant 64 : i32
      %mul3A_331 = arith.muli %add3A_296, %mul3A_330 : i32
      %add3A_332 = arith.constant 16 : i32
      %add3A_333 = arith.addi %mul3A_331, %add3A_332 : i32
      %swap3A_334 = arith.constant 0 : i32
      %swap3A_335 = arith.index_cast %swap3A_334 : i32 to index
      %swap3A_336 = arith.index_cast %add3A_333 : i32 to index
      %swap3A_337 = tpu.vector_load %arg8[%swap3A_335, %swap3A_336] {strides = array<i32>} : memref<2x1024xf32, #tpu.memory_space<vmem>>, vector<16xf32>,
      tpu.vector_store %arg8[%swap3A_335, %swap3A_336], %scan3A_312#1 {strides = array<i32>} : memref<2x1024xf32, #tpu.memory_space<vmem>>, vector<16xf32>,
      %mul3A_338 = arith.constant 64 : i32
      %mul3A_339 = arith.muli %add3A_296, %mul3A_338 : i32
      %add3A_340 = arith.constant 16 : i32
      %add3A_341 = arith.addi %mul3A_339, %add3A_340 : i32
      %swap3A_342 = arith.constant 1 : i32
      %swap3A_343 = arith.index_cast %swap3A_342 : i32 to index
      %swap3A_344 = arith.index_cast %add3A_341 : i32 to index
      %swap3A_345 = tpu.vector_load %arg8[%swap3A_343, %swap3A_344] {strides = array<i32>} : memref<2x1024xf32, #tpu.memory_space<vmem>>, vector<16xf32>,
      tpu.vector_store %arg8[%swap3A_343, %swap3A_344], %scan3A_312#5 {strides = array<i32>} : memref<2x1024xf32, #tpu.memory_space<vmem>>, vector<16xf32>,
      %mul3A_346 = arith.constant 64 : i32
      %mul3A_347 = arith.muli %add3A_296, %mul3A_346 : i32
      %add3A_348 = arith.constant 32 : i32
      %add3A_349 = arith.addi %mul3A_347, %add3A_348 : i32
      %swap3A_350 = arith.constant 0 : i32
      %swap3A_351 = arith.index_cast %swap3A_350 : i32 to index
      %swap3A_352 = arith.index_cast %add3A_349 : i32 to index
      %swap3A_353 = tpu.vector_load %arg8[%swap3A_351, %swap3A_352] {strides = array<i32>} : memref<2x1024xf32, #tpu.memory_space<vmem>>, vector<16xf32>,
      tpu.vector_store %arg8[%swap3A_351, %swap3A_352], %scan3A_312#2 {strides = array<i32>} : memref<2x1024xf32, #tpu.memory_space<vmem>>, vector<16xf32>,
      %mul3A_354 = arith.constant 64 : i32
      %mul3A_355 = arith.muli %add3A_296, %mul3A_354 : i32
      %add3A_356 = arith.constant 32 : i32
      %add3A_357 = arith.addi %mul3A_355, %add3A_356 : i32
      %swap3A_358 = arith.constant 1 : i32
      %swap3A_359 = arith.index_cast %swap3A_358 : i32 to index
      %swap3A_360 = arith.index_cast %add3A_357 : i32 to index
      %swap3A_361 = tpu.vector_load %arg8[%swap3A_359, %swap3A_360] {strides = array<i32>} : memref<2x1024xf32, #tpu.memory_space<vmem>>, vector<16xf32>,
      tpu.vector_store %arg8[%swap3A_359, %swap3A_360], %scan3A_312#6 {strides = array<i32>} : memref<2x1024xf32, #tpu.memory_space<vmem>>, vector<16xf32>,
      %mul3A_362 = arith.constant 64 : i32
      %mul3A_363 = arith.muli %add3A_296, %mul3A_362 : i32
      %add3A_364 = arith.constant 48 : i32
      %add3A_365 = arith.addi %mul3A_363, %add3A_364 : i32
      %swap3A_366 = arith.constant 0 : i32
      %swap3A_367 = arith.index_cast %swap3A_366 : i32 to index
      %swap3A_368 = arith.index_cast %add3A_365 : i32 to index
      %swap3A_369 = tpu.vector_load %arg8[%swap3A_367, %swap3A_368] {strides = array<i32>} : memref<2x1024xf32, #tpu.memory_space<vmem>>, vector<16xf32>,
      tpu.vector_store %arg8[%swap3A_367, %swap3A_368], %scan3A_312#3 {strides = array<i32>} : memref<2x1024xf32, #tpu.memory_space<vmem>>, vector<16xf32>,
      %mul3A_370 = arith.constant 64 : i32
      %mul3A_371 = arith.muli %add3A_296, %mul3A_370 : i32
      %add3A_372 = arith.constant 48 : i32
      %add3A_373 = arith.addi %mul3A_371, %add3A_372 : i32
      %swap3A_374 = arith.constant 1 : i32
      %swap3A_375 = arith.index_cast %swap3A_374 : i32 to index
      %swap3A_376 = arith.index_cast %add3A_373 : i32 to index
      %swap3A_377 = tpu.vector_load %arg8[%swap3A_375, %swap3A_376] {strides = array<i32>} : memref<2x1024xf32, #tpu.memory_space<vmem>>, vector<16xf32>,
      tpu.vector_store %arg8[%swap3A_375, %swap3A_376], %scan3A_312#7 {strides = array<i32>} : memref<2x1024xf32, #tpu.memory_space<vmem>>, vector<16xf32>,
      %add3A_378 = arith.constant 3 : i32
      %add3A_379 = arith.addi %mul3A_200, %add3A_378 : i32
      %mul3A_380 = arith.constant 12864 : i32
      %mul3A_381 = arith.muli %add3A_379, %mul3A_380 : i32
      %dma_start3A_382 = arith.constant 1 : i32
      %dma_start3A_383 = arith.constant 0 : i32
      %dma_start3A_384 = tpu.memref_slice %arg7[%dma_start3A_382, %dma_start3A_383] : memref<2x12864xi32, #tpu.memory_space<vmem>> -> memref<1x12864xi32, #tpu.memory_space<vmem>>
      %dma_start3A_385 = tpu.memref_squeeze %dma_start3A_384 : memref<1x12864xi32, #tpu.memory_space<vmem>> -> memref<12864xi32, #tpu.memory_space<vmem>>
      %dma_start3A_386 = tpu.memref_slice %arg2[%mul3A_381] : memref<205824xi32, #tpu.memory_space<hbm>> -> memref<12864xi32, #tpu.memory_space<hbm>>
      %dma_start3A_387 = arith.constant 0 : i32
      %dma_start3A_388 = tpu.memref_slice %arg7[%dma_start3A_382, %dma_start3A_387] : memref<2x12864xi32, #tpu.memory_space<vmem>> -> memref<1x12864xi32, #tpu.memory_space<vmem>>
      %dma_start3A_389 = tpu.memref_squeeze %dma_start3A_388 : memref<1x12864xi32, #tpu.memory_space<vmem>> -> memref<12864xi32, #tpu.memory_space<vmem>>
      %dma_start3A_390 = tpu.memref_slice %arg2[%mul3A_381] : memref<205824xi32, #tpu.memory_space<hbm>> -> memref<12864xi32, #tpu.memory_space<hbm>>
      tpu.enqueue_dma source(%dma_start3A_390 : memref<12864xi32, #tpu.memory_space<hbm>>) target(%dma_start3A_389 : memref<12864xi32, #tpu.memory_space<vmem>>) target_semaphore(%arg11 : memref<!tpu.dma_semaphore, #tpu.memory_space<semaphore_mem>>)
    }
    %scan3A_96 = arith.constant 7 : i32
    %dma_wait3A_97 = arith.constant 0 : i32
    %dma_wait3A_98 = arith.constant 0 : i32
    %dma_wait3A_99 = tpu.memref_slice %arg7[%dma_wait3A_97, %dma_wait3A_98] : memref<2x12864xi32, #tpu.memory_space<vmem>> -> memref<1x12864xi32, #tpu.memory_space<vmem>>
    %dma_wait3A_100 = tpu.memref_squeeze %dma_wait3A_99 : memref<1x12864xi32, #tpu.memory_space<vmem>> -> memref<12864xi32, #tpu.memory_space<vmem>>
    %dma_wait3A_101 = arith.constant 180096 : i32
    %dma_wait3A_102 = tpu.memref_slice %arg2[%dma_wait3A_101] : memref<205824xi32, #tpu.memory_space<hbm>> -> memref<12864xi32, #tpu.memory_space<hbm>>
    %dma_wait3A_103 = arith.constant 0 : i32
    %dma_wait3A_104 = tpu.memref_slice %arg7[%dma_wait3A_97, %dma_wait3A_103] : memref<2x12864xi32, #tpu.memory_space<vmem>> -> memref<1x12864xi32, #tpu.memory_space<vmem>>
    %dma_wait3A_105 = tpu.memref_squeeze %dma_wait3A_104 : memref<1x12864xi32, #tpu.memory_space<vmem>> -> memref<12864xi32, #tpu.memory_space<vmem>>
    %dma_wait3A_106 = arith.constant 180096 : i32
    %dma_wait3A_107 = tpu.memref_slice %arg2[%dma_wait3A_106] : memref<205824xi32, #tpu.memory_space<hbm>> -> memref<12864xi32, #tpu.memory_space<hbm>>
    tpu.wait_dma2 semaphore(%arg10 : memref<!tpu.dma_semaphore, #tpu.memory_space<semaphore_mem>>) src(%dma_wait3A_107 : memref<12864xi32, #tpu.memory_space<hbm>>) dst(%dma_wait3A_105 : memref<12864xi32, #tpu.memory_space<vmem>>)
    %scan3A_108 = arith.constant 0 : i32
    %scan3A_109 = arith.constant 200 : i32
    %scan3A_110 = arith.addi %scan3A_108, %scan3A_109 : i32
    %scan3A_111 = arith.constant 2 : i32
    %scan3A_112:8 = scf.for %scan3A_198 = %scan3A_108 to %scan3A_110 step %scan3A_111 iter_args(%scan3A_199 = %get3A_80, %scan3A_200 = %get3A_80, %scan3A_201 = %get3A_80, %scan3A_202 = %get3A_80, %scan3A_203 = %get3A_84, %scan3A_204 = %get3A_84, %scan3A_205 = %get3A_84, %scan3A_206 = %get3A_84) -> (vector<16xf32>, vector<16xf32>, vector<16xf32>, vector<16xf32>, vector<16xf32>, vector<16xf32>, vector<16xf32>, vector<16xf32>)  : i32 {
      %add3A_207 = vector.broadcast %scan3A_198 : i32 to vector<16xi32>
      %add3A_208 = arith.addi %add3A_6, %add3A_207 : vector<16xi32>
      %gather3A = arith.constant 0 : i32
      %gather3A_209 = arith.constant 0 : i32
      %gather3A_210 = tpu.memref_slice %arg7[%gather3A, %gather3A_209] : memref<2x12864xi32, #tpu.memory_space<vmem>> -> memref<1x12864xi32, #tpu.memory_space<vmem>>
      %gather3A_211 = tpu.memref_squeeze %gather3A_210 : memref<1x12864xi32, #tpu.memory_space<vmem>> -> memref<12864xi32, #tpu.memory_space<vmem>>
      %gather3A_212 = tpu.vector_load_idx %gather3A_211[%add3A_208] : memref<12864xi32, #tpu.memory_space<vmem>>[vector<16xi32>], vector<16xi32>,
      %shift_right_logical3A = arith.constant 7 : i32
      %shift_right_logical3A_213 = vector.broadcast %shift_right_logical3A : i32 to vector<16xi32>
      %shift_right_logical3A_214 = arith.shrui %gather3A_212, %shift_right_logical3A_213 : vector<16xi32>
      %and3A_215 = arith.constant 127 : i32
      %and3A_216 = vector.broadcast %and3A_215 : i32 to vector<16xi32>
      %and3A_217 = arith.andi %gather3A_212, %and3A_216 : vector<16xi32>
      %gather3A_218 = tpu.vector_load_idx %arg6[%shift_right_logical3A_214, %and3A_217] : memref<782x128xi32, #tpu.memory_space<vmem>>[vector<16xi32>, vector<16xi32>], vector<16xi32>,
      %and3A_219 = arith.constant -65536 : i32
      %and3A_220 = vector.broadcast %and3A_219 : i32 to vector<16xi32>
      %and3A_221 = arith.andi %gather3A_218, %and3A_220 : vector<16xi32>
      %bitcast3A = vector.bitcast %and3A_221 : vector<16xi32> to vector<16xf32>
      %shift_left3A = arith.constant 16 : i32
      %shift_left3A_222 = vector.broadcast %shift_left3A : i32 to vector<16xi32>
      %shift_left3A_223 = arith.shli %gather3A_218, %shift_left3A_222 : vector<16xi32>
      %bitcast3A_224 = vector.bitcast %shift_left3A_223 : vector<16xi32> to vector<16xf32>
      %add3A_225 = arith.addf %scan3A_199, %bitcast3A : vector<16xf32>
      %add3A_226 = arith.addf %scan3A_203, %bitcast3A_224 : vector<16xf32>
      %add3A_227 = vector.broadcast %scan3A_198 : i32 to vector<16xi32>
      %add3A_228 = arith.addi %add3A_9, %add3A_227 : vector<16xi32>
      %gather3A_229 = arith.constant 0 : i32
      %gather3A_230 = arith.constant 0 : i32
      %gather3A_231 = tpu.memref_slice %arg7[%gather3A_229, %gather3A_230] : memref<2x12864xi32, #tpu.memory_space<vmem>> -> memref<1x12864xi32, #tpu.memory_space<vmem>>
      %gather3A_232 = tpu.memref_squeeze %gather3A_231 : memref<1x12864xi32, #tpu.memory_space<vmem>> -> memref<12864xi32, #tpu.memory_space<vmem>>
      %gather3A_233 = tpu.vector_load_idx %gather3A_232[%add3A_228] : memref<12864xi32, #tpu.memory_space<vmem>>[vector<16xi32>], vector<16xi32>,
      %shift_right_logical3A_234 = arith.constant 7 : i32
      %shift_right_logical3A_235 = vector.broadcast %shift_right_logical3A_234 : i32 to vector<16xi32>
      %shift_right_logical3A_236 = arith.shrui %gather3A_233, %shift_right_logical3A_235 : vector<16xi32>
      %and3A_237 = arith.constant 127 : i32
      %and3A_238 = vector.broadcast %and3A_237 : i32 to vector<16xi32>
      %and3A_239 = arith.andi %gather3A_233, %and3A_238 : vector<16xi32>
      %gather3A_240 = tpu.vector_load_idx %arg6[%shift_right_logical3A_236, %and3A_239] : memref<782x128xi32, #tpu.memory_space<vmem>>[vector<16xi32>, vector<16xi32>], vector<16xi32>,
      %and3A_241 = arith.constant -65536 : i32
      %and3A_242 = vector.broadcast %and3A_241 : i32 to vector<16xi32>
      %and3A_243 = arith.andi %gather3A_240, %and3A_242 : vector<16xi32>
      %bitcast3A_244 = vector.bitcast %and3A_243 : vector<16xi32> to vector<16xf32>
      %shift_left3A_245 = arith.constant 16 : i32
      %shift_left3A_246 = vector.broadcast %shift_left3A_245 : i32 to vector<16xi32>
      %shift_left3A_247 = arith.shli %gather3A_240, %shift_left3A_246 : vector<16xi32>
      %bitcast3A_248 = vector.bitcast %shift_left3A_247 : vector<16xi32> to vector<16xf32>
      %add3A_249 = arith.addf %scan3A_200, %bitcast3A_244 : vector<16xf32>
      %add3A_250 = arith.addf %scan3A_204, %bitcast3A_248 : vector<16xf32>
      %add3A_251 = vector.broadcast %scan3A_198 : i32 to vector<16xi32>
      %add3A_252 = arith.addi %add3A_12, %add3A_251 : vector<16xi32>
      %gather3A_253 = arith.constant 0 : i32
      %gather3A_254 = arith.constant 0 : i32
      %gather3A_255 = tpu.memref_slice %arg7[%gather3A_253, %gather3A_254] : memref<2x12864xi32, #tpu.memory_space<vmem>> -> memref<1x12864xi32, #tpu.memory_space<vmem>>
      %gather3A_256 = tpu.memref_squeeze %gather3A_255 : memref<1x12864xi32, #tpu.memory_space<vmem>> -> memref<12864xi32, #tpu.memory_space<vmem>>
      %gather3A_257 = tpu.vector_load_idx %gather3A_256[%add3A_252] : memref<12864xi32, #tpu.memory_space<vmem>>[vector<16xi32>], vector<16xi32>,
      %shift_right_logical3A_258 = arith.constant 7 : i32
      %shift_right_logical3A_259 = vector.broadcast %shift_right_logical3A_258 : i32 to vector<16xi32>
      %shift_right_logical3A_260 = arith.shrui %gather3A_257, %shift_right_logical3A_259 : vector<16xi32>
      %and3A_261 = arith.constant 127 : i32
      %and3A_262 = vector.broadcast %and3A_261 : i32 to vector<16xi32>
      %and3A_263 = arith.andi %gather3A_257, %and3A_262 : vector<16xi32>
      %gather3A_264 = tpu.vector_load_idx %arg6[%shift_right_logical3A_260, %and3A_263] : memref<782x128xi32, #tpu.memory_space<vmem>>[vector<16xi32>, vector<16xi32>], vector<16xi32>,
      %and3A_265 = arith.constant -65536 : i32
      %and3A_266 = vector.broadcast %and3A_265 : i32 to vector<16xi32>
      %and3A_267 = arith.andi %gather3A_264, %and3A_266 : vector<16xi32>
      %bitcast3A_268 = vector.bitcast %and3A_267 : vector<16xi32> to vector<16xf32>
      %shift_left3A_269 = arith.constant 16 : i32
      %shift_left3A_270 = vector.broadcast %shift_left3A_269 : i32 to vector<16xi32>
      %shift_left3A_271 = arith.shli %gather3A_264, %shift_left3A_270 : vector<16xi32>
      %bitcast3A_272 = vector.bitcast %shift_left3A_271 : vector<16xi32> to vector<16xf32>
      %add3A_273 = arith.addf %scan3A_201, %bitcast3A_268 : vector<16xf32>
      %add3A_274 = arith.addf %scan3A_205, %bitcast3A_272 : vector<16xf32>
      %add3A_275 = vector.broadcast %scan3A_198 : i32 to vector<16xi32>
      %add3A_276 = arith.addi %add3A_15, %add3A_275 : vector<16xi32>
      %gather3A_277 = arith.constant 0 : i32
      %gather3A_278 = arith.constant 0 : i32
      %gather3A_279 = tpu.memref_slice %arg7[%gather3A_277, %gather3A_278] : memref<2x12864xi32, #tpu.memory_space<vmem>> -> memref<1x12864xi32, #tpu.memory_space<vmem>>
      %gather3A_280 = tpu.memref_squeeze %gather3A_279 : memref<1x12864xi32, #tpu.memory_space<vmem>> -> memref<12864xi32, #tpu.memory_space<vmem>>
      %gather3A_281 = tpu.vector_load_idx %gather3A_280[%add3A_276] : memref<12864xi32, #tpu.memory_space<vmem>>[vector<16xi32>], vector<16xi32>,
      %shift_right_logical3A_282 = arith.constant 7 : i32
      %shift_right_logical3A_283 = vector.broadcast %shift_right_logical3A_282 : i32 to vector<16xi32>
      %shift_right_logical3A_284 = arith.shrui %gather3A_281, %shift_right_logical3A_283 : vector<16xi32>
      %and3A_285 = arith.constant 127 : i32
      %and3A_286 = vector.broadcast %and3A_285 : i32 to vector<16xi32>
      %and3A_287 = arith.andi %gather3A_281, %and3A_286 : vector<16xi32>
      %gather3A_288 = tpu.vector_load_idx %arg6[%shift_right_logical3A_284, %and3A_287] : memref<782x128xi32, #tpu.memory_space<vmem>>[vector<16xi32>, vector<16xi32>], vector<16xi32>,
      %and3A_289 = arith.constant -65536 : i32
      %and3A_290 = vector.broadcast %and3A_289 : i32 to vector<16xi32>
      %and3A_291 = arith.andi %gather3A_288, %and3A_290 : vector<16xi32>
      %bitcast3A_292 = vector.bitcast %and3A_291 : vector<16xi32> to vector<16xf32>
      %shift_left3A_293 = arith.constant 16 : i32
      %shift_left3A_294 = vector.broadcast %shift_left3A_293 : i32 to vector<16xi32>
      %shift_left3A_295 = arith.shli %gather3A_288, %shift_left3A_294 : vector<16xi32>
      %bitcast3A_296 = vector.bitcast %shift_left3A_295 : vector<16xi32> to vector<16xf32>
      %add3A_297 = arith.addf %scan3A_202, %bitcast3A_292 : vector<16xf32>
      %add3A_298 = arith.addf %scan3A_206, %bitcast3A_296 : vector<16xf32>
      %scan3A_299 = arith.constant 1 : i32
      %scan3A_300 = arith.addi %scan3A_198, %scan3A_299 : i32
      %add3A_301 = vector.broadcast %scan3A_300 : i32 to vector<16xi32>
      %add3A_302 = arith.addi %add3A_6, %add3A_301 : vector<16xi32>
      %gather3A_303 = arith.constant 0 : i32
      %gather3A_304 = arith.constant 0 : i32
      %gather3A_305 = tpu.memref_slice %arg7[%gather3A_303, %gather3A_304] : memref<2x12864xi32, #tpu.memory_space<vmem>> -> memref<1x12864xi32, #tpu.memory_space<vmem>>
      %gather3A_306 = tpu.memref_squeeze %gather3A_305 : memref<1x12864xi32, #tpu.memory_space<vmem>> -> memref<12864xi32, #tpu.memory_space<vmem>>
      %gather3A_307 = tpu.vector_load_idx %gather3A_306[%add3A_302] : memref<12864xi32, #tpu.memory_space<vmem>>[vector<16xi32>], vector<16xi32>,
      %shift_right_logical3A_308 = arith.constant 7 : i32
      %shift_right_logical3A_309 = vector.broadcast %shift_right_logical3A_308 : i32 to vector<16xi32>
      %shift_right_logical3A_310 = arith.shrui %gather3A_307, %shift_right_logical3A_309 : vector<16xi32>
      %and3A_311 = arith.constant 127 : i32
      %and3A_312 = vector.broadcast %and3A_311 : i32 to vector<16xi32>
      %and3A_313 = arith.andi %gather3A_307, %and3A_312 : vector<16xi32>
      %gather3A_314 = tpu.vector_load_idx %arg6[%shift_right_logical3A_310, %and3A_313] : memref<782x128xi32, #tpu.memory_space<vmem>>[vector<16xi32>, vector<16xi32>], vector<16xi32>,
      %and3A_315 = arith.constant -65536 : i32
      %and3A_316 = vector.broadcast %and3A_315 : i32 to vector<16xi32>
      %and3A_317 = arith.andi %gather3A_314, %and3A_316 : vector<16xi32>
      %bitcast3A_318 = vector.bitcast %and3A_317 : vector<16xi32> to vector<16xf32>
      %shift_left3A_319 = arith.constant 16 : i32
      %shift_left3A_320 = vector.broadcast %shift_left3A_319 : i32 to vector<16xi32>
      %shift_left3A_321 = arith.shli %gather3A_314, %shift_left3A_320 : vector<16xi32>
      %bitcast3A_322 = vector.bitcast %shift_left3A_321 : vector<16xi32> to vector<16xf32>
      %add3A_323 = arith.addf %add3A_225, %bitcast3A_318 : vector<16xf32>
      %add3A_324 = arith.addf %add3A_226, %bitcast3A_322 : vector<16xf32>
      %add3A_325 = vector.broadcast %scan3A_300 : i32 to vector<16xi32>
      %add3A_326 = arith.addi %add3A_9, %add3A_325 : vector<16xi32>
      %gather3A_327 = arith.constant 0 : i32
      %gather3A_328 = arith.constant 0 : i32
      %gather3A_329 = tpu.memref_slice %arg7[%gather3A_327, %gather3A_328] : memref<2x12864xi32, #tpu.memory_space<vmem>> -> memref<1x12864xi32, #tpu.memory_space<vmem>>
      %gather3A_330 = tpu.memref_squeeze %gather3A_329 : memref<1x12864xi32, #tpu.memory_space<vmem>> -> memref<12864xi32, #tpu.memory_space<vmem>>
      %gather3A_331 = tpu.vector_load_idx %gather3A_330[%add3A_326] : memref<12864xi32, #tpu.memory_space<vmem>>[vector<16xi32>], vector<16xi32>,
      %shift_right_logical3A_332 = arith.constant 7 : i32
      %shift_right_logical3A_333 = vector.broadcast %shift_right_logical3A_332 : i32 to vector<16xi32>
      %shift_right_logical3A_334 = arith.shrui %gather3A_331, %shift_right_logical3A_333 : vector<16xi32>
      %and3A_335 = arith.constant 127 : i32
      %and3A_336 = vector.broadcast %and3A_335 : i32 to vector<16xi32>
      %and3A_337 = arith.andi %gather3A_331, %and3A_336 : vector<16xi32>
      %gather3A_338 = tpu.vector_load_idx %arg6[%shift_right_logical3A_334, %and3A_337] : memref<782x128xi32, #tpu.memory_space<vmem>>[vector<16xi32>, vector<16xi32>], vector<16xi32>,
      %and3A_339 = arith.constant -65536 : i32
      %and3A_340 = vector.broadcast %and3A_339 : i32 to vector<16xi32>
      %and3A_341 = arith.andi %gather3A_338, %and3A_340 : vector<16xi32>
      %bitcast3A_342 = vector.bitcast %and3A_341 : vector<16xi32> to vector<16xf32>
      %shift_left3A_343 = arith.constant 16 : i32
      %shift_left3A_344 = vector.broadcast %shift_left3A_343 : i32 to vector<16xi32>
      %shift_left3A_345 = arith.shli %gather3A_338, %shift_left3A_344 : vector<16xi32>
      %bitcast3A_346 = vector.bitcast %shift_left3A_345 : vector<16xi32> to vector<16xf32>
      %add3A_347 = arith.addf %add3A_249, %bitcast3A_342 : vector<16xf32>
      %add3A_348 = arith.addf %add3A_250, %bitcast3A_346 : vector<16xf32>
      %add3A_349 = vector.broadcast %scan3A_300 : i32 to vector<16xi32>
      %add3A_350 = arith.addi %add3A_12, %add3A_349 : vector<16xi32>
      %gather3A_351 = arith.constant 0 : i32
      %gather3A_352 = arith.constant 0 : i32
      %gather3A_353 = tpu.memref_slice %arg7[%gather3A_351, %gather3A_352] : memref<2x12864xi32, #tpu.memory_space<vmem>> -> memref<1x12864xi32, #tpu.memory_space<vmem>>
      %gather3A_354 = tpu.memref_squeeze %gather3A_353 : memref<1x12864xi32, #tpu.memory_space<vmem>> -> memref<12864xi32, #tpu.memory_space<vmem>>
      %gather3A_355 = tpu.vector_load_idx %gather3A_354[%add3A_350] : memref<12864xi32, #tpu.memory_space<vmem>>[vector<16xi32>], vector<16xi32>,
      %shift_right_logical3A_356 = arith.constant 7 : i32
      %shift_right_logical3A_357 = vector.broadcast %shift_right_logical3A_356 : i32 to vector<16xi32>
      %shift_right_logical3A_358 = arith.shrui %gather3A_355, %shift_right_logical3A_357 : vector<16xi32>
      %and3A_359 = arith.constant 127 : i32
      %and3A_360 = vector.broadcast %and3A_359 : i32 to vector<16xi32>
      %and3A_361 = arith.andi %gather3A_355, %and3A_360 : vector<16xi32>
      %gather3A_362 = tpu.vector_load_idx %arg6[%shift_right_logical3A_358, %and3A_361] : memref<782x128xi32, #tpu.memory_space<vmem>>[vector<16xi32>, vector<16xi32>], vector<16xi32>,
      %and3A_363 = arith.constant -65536 : i32
      %and3A_364 = vector.broadcast %and3A_363 : i32 to vector<16xi32>
      %and3A_365 = arith.andi %gather3A_362, %and3A_364 : vector<16xi32>
      %bitcast3A_366 = vector.bitcast %and3A_365 : vector<16xi32> to vector<16xf32>
      %shift_left3A_367 = arith.constant 16 : i32
      %shift_left3A_368 = vector.broadcast %shift_left3A_367 : i32 to vector<16xi32>
      %shift_left3A_369 = arith.shli %gather3A_362, %shift_left3A_368 : vector<16xi32>
      %bitcast3A_370 = vector.bitcast %shift_left3A_369 : vector<16xi32> to vector<16xf32>
      %add3A_371 = arith.addf %add3A_273, %bitcast3A_366 : vector<16xf32>
      %add3A_372 = arith.addf %add3A_274, %bitcast3A_370 : vector<16xf32>
      %add3A_373 = vector.broadcast %scan3A_300 : i32 to vector<16xi32>
      %add3A_374 = arith.addi %add3A_15, %add3A_373 : vector<16xi32>
      %gather3A_375 = arith.constant 0 : i32
      %gather3A_376 = arith.constant 0 : i32
      %gather3A_377 = tpu.memref_slice %arg7[%gather3A_375, %gather3A_376] : memref<2x12864xi32, #tpu.memory_space<vmem>> -> memref<1x12864xi32, #tpu.memory_space<vmem>>
      %gather3A_378 = tpu.memref_squeeze %gather3A_377 : memref<1x12864xi32, #tpu.memory_space<vmem>> -> memref<12864xi32, #tpu.memory_space<vmem>>
      %gather3A_379 = tpu.vector_load_idx %gather3A_378[%add3A_374] : memref<12864xi32, #tpu.memory_space<vmem>>[vector<16xi32>], vector<16xi32>,
      %shift_right_logical3A_380 = arith.constant 7 : i32
      %shift_right_logical3A_381 = vector.broadcast %shift_right_logical3A_380 : i32 to vector<16xi32>
      %shift_right_logical3A_382 = arith.shrui %gather3A_379, %shift_right_logical3A_381 : vector<16xi32>
      %and3A_383 = arith.constant 127 : i32
      %and3A_384 = vector.broadcast %and3A_383 : i32 to vector<16xi32>
      %and3A_385 = arith.andi %gather3A_379, %and3A_384 : vector<16xi32>
      %gather3A_386 = tpu.vector_load_idx %arg6[%shift_right_logical3A_382, %and3A_385] : memref<782x128xi32, #tpu.memory_space<vmem>>[vector<16xi32>, vector<16xi32>], vector<16xi32>,
      %and3A_387 = arith.constant -65536 : i32
      %and3A_388 = vector.broadcast %and3A_387 : i32 to vector<16xi32>
      %and3A_389 = arith.andi %gather3A_386, %and3A_388 : vector<16xi32>
      %bitcast3A_390 = vector.bitcast %and3A_389 : vector<16xi32> to vector<16xf32>
      %shift_left3A_391 = arith.constant 16 : i32
      %shift_left3A_392 = vector.broadcast %shift_left3A_391 : i32 to vector<16xi32>
      %shift_left3A_393 = arith.shli %gather3A_386, %shift_left3A_392 : vector<16xi32>
      %bitcast3A_394 = vector.bitcast %shift_left3A_393 : vector<16xi32> to vector<16xf32>
      %add3A_395 = arith.addf %add3A_297, %bitcast3A_390 : vector<16xf32>
      %add3A_396 = arith.addf %add3A_298, %bitcast3A_394 : vector<16xf32>
      scf.yield %add3A_323, %add3A_347, %add3A_371, %add3A_395, %add3A_324, %add3A_348, %add3A_372, %add3A_396 : vector<16xf32>, vector<16xf32>, vector<16xf32>, vector<16xf32>, vector<16xf32>, vector<16xf32>, vector<16xf32>, vector<16xf32>
    }
    %scan3A_113 = arith.constant 200 : i32
    %swap3A = arith.constant 0 : i32
    %swap3A_114 = arith.index_cast %swap3A : i32 to index
    %swap3A_115 = arith.constant 896 : index
    %swap3A_116 = tpu.vector_load %arg8[%swap3A_114, %swap3A_115] {strides = array<i32>} : memref<2x1024xf32, #tpu.memory_space<vmem>>, vector<16xf32>,
    tpu.vector_store %arg8[%swap3A_114, %swap3A_115], %scan3A_112#0 {strides = array<i32>} : memref<2x1024xf32, #tpu.memory_space<vmem>>, vector<16xf32>,
    %swap3A_117 = arith.constant 1 : i32
    %swap3A_118 = arith.index_cast %swap3A_117 : i32 to index
    %swap3A_119 = arith.constant 896 : index
    %swap3A_120 = tpu.vector_load %arg8[%swap3A_118, %swap3A_119] {strides = array<i32>} : memref<2x1024xf32, #tpu.memory_space<vmem>>, vector<16xf32>,
    tpu.vector_store %arg8[%swap3A_118, %swap3A_119], %scan3A_112#4 {strides = array<i32>} : memref<2x1024xf32, #tpu.memory_space<vmem>>, vector<16xf32>,
    %swap3A_121 = arith.constant 0 : i32
    %swap3A_122 = arith.index_cast %swap3A_121 : i32 to index
    %swap3A_123 = arith.constant 912 : index
    %swap3A_124 = tpu.vector_load %arg8[%swap3A_122, %swap3A_123] {strides = array<i32>} : memref<2x1024xf32, #tpu.memory_space<vmem>>, vector<16xf32>,
    tpu.vector_store %arg8[%swap3A_122, %swap3A_123], %scan3A_112#1 {strides = array<i32>} : memref<2x1024xf32, #tpu.memory_space<vmem>>, vector<16xf32>,
    %swap3A_125 = arith.constant 1 : i32
    %swap3A_126 = arith.index_cast %swap3A_125 : i32 to index
    %swap3A_127 = arith.constant 912 : index
    %swap3A_128 = tpu.vector_load %arg8[%swap3A_126, %swap3A_127] {strides = array<i32>} : memref<2x1024xf32, #tpu.memory_space<vmem>>, vector<16xf32>,
    tpu.vector_store %arg8[%swap3A_126, %swap3A_127], %scan3A_112#5 {strides = array<i32>} : memref<2x1024xf32, #tpu.memory_space<vmem>>, vector<16xf32>,
    %swap3A_129 = arith.constant 0 : i32
    %swap3A_130 = arith.index_cast %swap3A_129 : i32 to index
    %swap3A_131 = arith.constant 928 : index
    %swap3A_132 = tpu.vector_load %arg8[%swap3A_130, %swap3A_131] {strides = array<i32>} : memref<2x1024xf32, #tpu.memory_space<vmem>>, vector<16xf32>,
    tpu.vector_store %arg8[%swap3A_130, %swap3A_131], %scan3A_112#2 {strides = array<i32>} : memref<2x1024xf32, #tpu.memory_space<vmem>>, vector<16xf32>,
    %swap3A_133 = arith.constant 1 : i32
    %swap3A_134 = arith.index_cast %swap3A_133 : i32 to index
    %swap3A_135 = arith.constant 928 : index
    %swap3A_136 = tpu.vector_load %arg8[%swap3A_134, %swap3A_135] {strides = array<i32>} : memref<2x1024xf32, #tpu.memory_space<vmem>>, vector<16xf32>,
    tpu.vector_store %arg8[%swap3A_134, %swap3A_135], %scan3A_112#6 {strides = array<i32>} : memref<2x1024xf32, #tpu.memory_space<vmem>>, vector<16xf32>,
    %swap3A_137 = arith.constant 0 : i32
    %swap3A_138 = arith.index_cast %swap3A_137 : i32 to index
    %swap3A_139 = arith.constant 944 : index
    %swap3A_140 = tpu.vector_load %arg8[%swap3A_138, %swap3A_139] {strides = array<i32>} : memref<2x1024xf32, #tpu.memory_space<vmem>>, vector<16xf32>,
    tpu.vector_store %arg8[%swap3A_138, %swap3A_139], %scan3A_112#3 {strides = array<i32>} : memref<2x1024xf32, #tpu.memory_space<vmem>>, vector<16xf32>,
    %swap3A_141 = arith.constant 1 : i32
    %swap3A_142 = arith.index_cast %swap3A_141 : i32 to index
    %swap3A_143 = arith.constant 944 : index
    %swap3A_144 = tpu.vector_load %arg8[%swap3A_142, %swap3A_143] {strides = array<i32>} : memref<2x1024xf32, #tpu.memory_space<vmem>>, vector<16xf32>,
    tpu.vector_store %arg8[%swap3A_142, %swap3A_143], %scan3A_112#7 {strides = array<i32>} : memref<2x1024xf32, #tpu.memory_space<vmem>>, vector<16xf32>,
    %dma_wait3A_145 = arith.constant 1 : i32
    %dma_wait3A_146 = arith.constant 0 : i32
    %dma_wait3A_147 = tpu.memref_slice %arg7[%dma_wait3A_145, %dma_wait3A_146] : memref<2x12864xi32, #tpu.memory_space<vmem>> -> memref<1x12864xi32, #tpu.memory_space<vmem>>
    %dma_wait3A_148 = tpu.memref_squeeze %dma_wait3A_147 : memref<1x12864xi32, #tpu.memory_space<vmem>> -> memref<12864xi32, #tpu.memory_space<vmem>>
    %dma_wait3A_149 = arith.constant 192960 : i32
    %dma_wait3A_150 = tpu.memref_slice %arg2[%dma_wait3A_149] : memref<205824xi32, #tpu.memory_space<hbm>> -> memref<12864xi32, #tpu.memory_space<hbm>>
    %dma_wait3A_151 = arith.constant 0 : i32
    %dma_wait3A_152 = tpu.memref_slice %arg7[%dma_wait3A_145, %dma_wait3A_151] : memref<2x12864xi32, #tpu.memory_space<vmem>> -> memref<1x12864xi32, #tpu.memory_space<vmem>>
    %dma_wait3A_153 = tpu.memref_squeeze %dma_wait3A_152 : memref<1x12864xi32, #tpu.memory_space<vmem>> -> memref<12864xi32, #tpu.memory_space<vmem>>
    %dma_wait3A_154 = arith.constant 192960 : i32
    %dma_wait3A_155 = tpu.memref_slice %arg2[%dma_wait3A_154] : memref<205824xi32, #tpu.memory_space<hbm>> -> memref<12864xi32, #tpu.memory_space<hbm>>
    tpu.wait_dma2 semaphore(%arg11 : memref<!tpu.dma_semaphore, #tpu.memory_space<semaphore_mem>>) src(%dma_wait3A_155 : memref<12864xi32, #tpu.memory_space<hbm>>) dst(%dma_wait3A_153 : memref<12864xi32, #tpu.memory_space<vmem>>)
    %scan3A_156 = arith.constant 0 : i32
    %scan3A_157 = arith.constant 200 : i32
    %scan3A_158 = arith.addi %scan3A_156, %scan3A_157 : i32
    %scan3A_159 = arith.constant 2 : i32
    %scan3A_160:8 = scf.for %scan3A_198 = %scan3A_156 to %scan3A_158 step %scan3A_159 iter_args(%scan3A_199 = %get3A_80, %scan3A_200 = %get3A_80, %scan3A_201 = %get3A_80, %scan3A_202 = %get3A_80, %scan3A_203 = %get3A_84, %scan3A_204 = %get3A_84, %scan3A_205 = %get3A_84, %scan3A_206 = %get3A_84) -> (vector<16xf32>, vector<16xf32>, vector<16xf32>, vector<16xf32>, vector<16xf32>, vector<16xf32>, vector<16xf32>, vector<16xf32>)  : i32 {
      %add3A_207 = vector.broadcast %scan3A_198 : i32 to vector<16xi32>
      %add3A_208 = arith.addi %add3A_6, %add3A_207 : vector<16xi32>
      %gather3A = arith.constant 1 : i32
      %gather3A_209 = arith.constant 0 : i32
      %gather3A_210 = tpu.memref_slice %arg7[%gather3A, %gather3A_209] : memref<2x12864xi32, #tpu.memory_space<vmem>> -> memref<1x12864xi32, #tpu.memory_space<vmem>>
      %gather3A_211 = tpu.memref_squeeze %gather3A_210 : memref<1x12864xi32, #tpu.memory_space<vmem>> -> memref<12864xi32, #tpu.memory_space<vmem>>
      %gather3A_212 = tpu.vector_load_idx %gather3A_211[%add3A_208] : memref<12864xi32, #tpu.memory_space<vmem>>[vector<16xi32>], vector<16xi32>,
      %shift_right_logical3A = arith.constant 7 : i32
      %shift_right_logical3A_213 = vector.broadcast %shift_right_logical3A : i32 to vector<16xi32>
      %shift_right_logical3A_214 = arith.shrui %gather3A_212, %shift_right_logical3A_213 : vector<16xi32>
      %and3A_215 = arith.constant 127 : i32
      %and3A_216 = vector.broadcast %and3A_215 : i32 to vector<16xi32>
      %and3A_217 = arith.andi %gather3A_212, %and3A_216 : vector<16xi32>
      %gather3A_218 = tpu.vector_load_idx %arg6[%shift_right_logical3A_214, %and3A_217] : memref<782x128xi32, #tpu.memory_space<vmem>>[vector<16xi32>, vector<16xi32>], vector<16xi32>,
      %and3A_219 = arith.constant -65536 : i32
      %and3A_220 = vector.broadcast %and3A_219 : i32 to vector<16xi32>
      %and3A_221 = arith.andi %gather3A_218, %and3A_220 : vector<16xi32>
      %bitcast3A = vector.bitcast %and3A_221 : vector<16xi32> to vector<16xf32>
      %shift_left3A = arith.constant 16 : i32
      %shift_left3A_222 = vector.broadcast %shift_left3A : i32 to vector<16xi32>
      %shift_left3A_223 = arith.shli %gather3A_218, %shift_left3A_222 : vector<16xi32>
      %bitcast3A_224 = vector.bitcast %shift_left3A_223 : vector<16xi32> to vector<16xf32>
      %add3A_225 = arith.addf %scan3A_199, %bitcast3A : vector<16xf32>
      %add3A_226 = arith.addf %scan3A_203, %bitcast3A_224 : vector<16xf32>
      %add3A_227 = vector.broadcast %scan3A_198 : i32 to vector<16xi32>
      %add3A_228 = arith.addi %add3A_9, %add3A_227 : vector<16xi32>
      %gather3A_229 = arith.constant 1 : i32
      %gather3A_230 = arith.constant 0 : i32
      %gather3A_231 = tpu.memref_slice %arg7[%gather3A_229, %gather3A_230] : memref<2x12864xi32, #tpu.memory_space<vmem>> -> memref<1x12864xi32, #tpu.memory_space<vmem>>
      %gather3A_232 = tpu.memref_squeeze %gather3A_231 : memref<1x12864xi32, #tpu.memory_space<vmem>> -> memref<12864xi32, #tpu.memory_space<vmem>>
      %gather3A_233 = tpu.vector_load_idx %gather3A_232[%add3A_228] : memref<12864xi32, #tpu.memory_space<vmem>>[vector<16xi32>], vector<16xi32>,
      %shift_right_logical3A_234 = arith.constant 7 : i32
      %shift_right_logical3A_235 = vector.broadcast %shift_right_logical3A_234 : i32 to vector<16xi32>
      %shift_right_logical3A_236 = arith.shrui %gather3A_233, %shift_right_logical3A_235 : vector<16xi32>
      %and3A_237 = arith.constant 127 : i32
      %and3A_238 = vector.broadcast %and3A_237 : i32 to vector<16xi32>
      %and3A_239 = arith.andi %gather3A_233, %and3A_238 : vector<16xi32>
      %gather3A_240 = tpu.vector_load_idx %arg6[%shift_right_logical3A_236, %and3A_239] : memref<782x128xi32, #tpu.memory_space<vmem>>[vector<16xi32>, vector<16xi32>], vector<16xi32>,
      %and3A_241 = arith.constant -65536 : i32
      %and3A_242 = vector.broadcast %and3A_241 : i32 to vector<16xi32>
      %and3A_243 = arith.andi %gather3A_240, %and3A_242 : vector<16xi32>
      %bitcast3A_244 = vector.bitcast %and3A_243 : vector<16xi32> to vector<16xf32>
      %shift_left3A_245 = arith.constant 16 : i32
      %shift_left3A_246 = vector.broadcast %shift_left3A_245 : i32 to vector<16xi32>
      %shift_left3A_247 = arith.shli %gather3A_240, %shift_left3A_246 : vector<16xi32>
      %bitcast3A_248 = vector.bitcast %shift_left3A_247 : vector<16xi32> to vector<16xf32>
      %add3A_249 = arith.addf %scan3A_200, %bitcast3A_244 : vector<16xf32>
      %add3A_250 = arith.addf %scan3A_204, %bitcast3A_248 : vector<16xf32>
      %add3A_251 = vector.broadcast %scan3A_198 : i32 to vector<16xi32>
      %add3A_252 = arith.addi %add3A_12, %add3A_251 : vector<16xi32>
      %gather3A_253 = arith.constant 1 : i32
      %gather3A_254 = arith.constant 0 : i32
      %gather3A_255 = tpu.memref_slice %arg7[%gather3A_253, %gather3A_254] : memref<2x12864xi32, #tpu.memory_space<vmem>> -> memref<1x12864xi32, #tpu.memory_space<vmem>>
      %gather3A_256 = tpu.memref_squeeze %gather3A_255 : memref<1x12864xi32, #tpu.memory_space<vmem>> -> memref<12864xi32, #tpu.memory_space<vmem>>
      %gather3A_257 = tpu.vector_load_idx %gather3A_256[%add3A_252] : memref<12864xi32, #tpu.memory_space<vmem>>[vector<16xi32>], vector<16xi32>,
      %shift_right_logical3A_258 = arith.constant 7 : i32
      %shift_right_logical3A_259 = vector.broadcast %shift_right_logical3A_258 : i32 to vector<16xi32>
      %shift_right_logical3A_260 = arith.shrui %gather3A_257, %shift_right_logical3A_259 : vector<16xi32>
      %and3A_261 = arith.constant 127 : i32
      %and3A_262 = vector.broadcast %and3A_261 : i32 to vector<16xi32>
      %and3A_263 = arith.andi %gather3A_257, %and3A_262 : vector<16xi32>
      %gather3A_264 = tpu.vector_load_idx %arg6[%shift_right_logical3A_260, %and3A_263] : memref<782x128xi32, #tpu.memory_space<vmem>>[vector<16xi32>, vector<16xi32>], vector<16xi32>,
      %and3A_265 = arith.constant -65536 : i32
      %and3A_266 = vector.broadcast %and3A_265 : i32 to vector<16xi32>
      %and3A_267 = arith.andi %gather3A_264, %and3A_266 : vector<16xi32>
      %bitcast3A_268 = vector.bitcast %and3A_267 : vector<16xi32> to vector<16xf32>
      %shift_left3A_269 = arith.constant 16 : i32
      %shift_left3A_270 = vector.broadcast %shift_left3A_269 : i32 to vector<16xi32>
      %shift_left3A_271 = arith.shli %gather3A_264, %shift_left3A_270 : vector<16xi32>
      %bitcast3A_272 = vector.bitcast %shift_left3A_271 : vector<16xi32> to vector<16xf32>
      %add3A_273 = arith.addf %scan3A_201, %bitcast3A_268 : vector<16xf32>
      %add3A_274 = arith.addf %scan3A_205, %bitcast3A_272 : vector<16xf32>
      %add3A_275 = vector.broadcast %scan3A_198 : i32 to vector<16xi32>
      %add3A_276 = arith.addi %add3A_15, %add3A_275 : vector<16xi32>
      %gather3A_277 = arith.constant 1 : i32
      %gather3A_278 = arith.constant 0 : i32
      %gather3A_279 = tpu.memref_slice %arg7[%gather3A_277, %gather3A_278] : memref<2x12864xi32, #tpu.memory_space<vmem>> -> memref<1x12864xi32, #tpu.memory_space<vmem>>
      %gather3A_280 = tpu.memref_squeeze %gather3A_279 : memref<1x12864xi32, #tpu.memory_space<vmem>> -> memref<12864xi32, #tpu.memory_space<vmem>>
      %gather3A_281 = tpu.vector_load_idx %gather3A_280[%add3A_276] : memref<12864xi32, #tpu.memory_space<vmem>>[vector<16xi32>], vector<16xi32>,
      %shift_right_logical3A_282 = arith.constant 7 : i32
      %shift_right_logical3A_283 = vector.broadcast %shift_right_logical3A_282 : i32 to vector<16xi32>
      %shift_right_logical3A_284 = arith.shrui %gather3A_281, %shift_right_logical3A_283 : vector<16xi32>
      %and3A_285 = arith.constant 127 : i32
      %and3A_286 = vector.broadcast %and3A_285 : i32 to vector<16xi32>
      %and3A_287 = arith.andi %gather3A_281, %and3A_286 : vector<16xi32>
      %gather3A_288 = tpu.vector_load_idx %arg6[%shift_right_logical3A_284, %and3A_287] : memref<782x128xi32, #tpu.memory_space<vmem>>[vector<16xi32>, vector<16xi32>], vector<16xi32>,
      %and3A_289 = arith.constant -65536 : i32
      %and3A_290 = vector.broadcast %and3A_289 : i32 to vector<16xi32>
      %and3A_291 = arith.andi %gather3A_288, %and3A_290 : vector<16xi32>
      %bitcast3A_292 = vector.bitcast %and3A_291 : vector<16xi32> to vector<16xf32>
      %shift_left3A_293 = arith.constant 16 : i32
      %shift_left3A_294 = vector.broadcast %shift_left3A_293 : i32 to vector<16xi32>
      %shift_left3A_295 = arith.shli %gather3A_288, %shift_left3A_294 : vector<16xi32>
      %bitcast3A_296 = vector.bitcast %shift_left3A_295 : vector<16xi32> to vector<16xf32>
      %add3A_297 = arith.addf %scan3A_202, %bitcast3A_292 : vector<16xf32>
      %add3A_298 = arith.addf %scan3A_206, %bitcast3A_296 : vector<16xf32>
      %scan3A_299 = arith.constant 1 : i32
      %scan3A_300 = arith.addi %scan3A_198, %scan3A_299 : i32
      %add3A_301 = vector.broadcast %scan3A_300 : i32 to vector<16xi32>
      %add3A_302 = arith.addi %add3A_6, %add3A_301 : vector<16xi32>
      %gather3A_303 = arith.constant 1 : i32
      %gather3A_304 = arith.constant 0 : i32
      %gather3A_305 = tpu.memref_slice %arg7[%gather3A_303, %gather3A_304] : memref<2x12864xi32, #tpu.memory_space<vmem>> -> memref<1x12864xi32, #tpu.memory_space<vmem>>
      %gather3A_306 = tpu.memref_squeeze %gather3A_305 : memref<1x12864xi32, #tpu.memory_space<vmem>> -> memref<12864xi32, #tpu.memory_space<vmem>>
      %gather3A_307 = tpu.vector_load_idx %gather3A_306[%add3A_302] : memref<12864xi32, #tpu.memory_space<vmem>>[vector<16xi32>], vector<16xi32>,
      %shift_right_logical3A_308 = arith.constant 7 : i32
      %shift_right_logical3A_309 = vector.broadcast %shift_right_logical3A_308 : i32 to vector<16xi32>
      %shift_right_logical3A_310 = arith.shrui %gather3A_307, %shift_right_logical3A_309 : vector<16xi32>
      %and3A_311 = arith.constant 127 : i32
      %and3A_312 = vector.broadcast %and3A_311 : i32 to vector<16xi32>
      %and3A_313 = arith.andi %gather3A_307, %and3A_312 : vector<16xi32>
      %gather3A_314 = tpu.vector_load_idx %arg6[%shift_right_logical3A_310, %and3A_313] : memref<782x128xi32, #tpu.memory_space<vmem>>[vector<16xi32>, vector<16xi32>], vector<16xi32>,
      %and3A_315 = arith.constant -65536 : i32
      %and3A_316 = vector.broadcast %and3A_315 : i32 to vector<16xi32>
      %and3A_317 = arith.andi %gather3A_314, %and3A_316 : vector<16xi32>
      %bitcast3A_318 = vector.bitcast %and3A_317 : vector<16xi32> to vector<16xf32>
      %shift_left3A_319 = arith.constant 16 : i32
      %shift_left3A_320 = vector.broadcast %shift_left3A_319 : i32 to vector<16xi32>
      %shift_left3A_321 = arith.shli %gather3A_314, %shift_left3A_320 : vector<16xi32>
      %bitcast3A_322 = vector.bitcast %shift_left3A_321 : vector<16xi32> to vector<16xf32>
      %add3A_323 = arith.addf %add3A_225, %bitcast3A_318 : vector<16xf32>
      %add3A_324 = arith.addf %add3A_226, %bitcast3A_322 : vector<16xf32>
      %add3A_325 = vector.broadcast %scan3A_300 : i32 to vector<16xi32>
      %add3A_326 = arith.addi %add3A_9, %add3A_325 : vector<16xi32>
      %gather3A_327 = arith.constant 1 : i32
      %gather3A_328 = arith.constant 0 : i32
      %gather3A_329 = tpu.memref_slice %arg7[%gather3A_327, %gather3A_328] : memref<2x12864xi32, #tpu.memory_space<vmem>> -> memref<1x12864xi32, #tpu.memory_space<vmem>>
      %gather3A_330 = tpu.memref_squeeze %gather3A_329 : memref<1x12864xi32, #tpu.memory_space<vmem>> -> memref<12864xi32, #tpu.memory_space<vmem>>
      %gather3A_331 = tpu.vector_load_idx %gather3A_330[%add3A_326] : memref<12864xi32, #tpu.memory_space<vmem>>[vector<16xi32>], vector<16xi32>,
      %shift_right_logical3A_332 = arith.constant 7 : i32
      %shift_right_logical3A_333 = vector.broadcast %shift_right_logical3A_332 : i32 to vector<16xi32>
      %shift_right_logical3A_334 = arith.shrui %gather3A_331, %shift_right_logical3A_333 : vector<16xi32>
      %and3A_335 = arith.constant 127 : i32
      %and3A_336 = vector.broadcast %and3A_335 : i32 to vector<16xi32>
      %and3A_337 = arith.andi %gather3A_331, %and3A_336 : vector<16xi32>
      %gather3A_338 = tpu.vector_load_idx %arg6[%shift_right_logical3A_334, %and3A_337] : memref<782x128xi32, #tpu.memory_space<vmem>>[vector<16xi32>, vector<16xi32>], vector<16xi32>,
      %and3A_339 = arith.constant -65536 : i32
      %and3A_340 = vector.broadcast %and3A_339 : i32 to vector<16xi32>
      %and3A_341 = arith.andi %gather3A_338, %and3A_340 : vector<16xi32>
      %bitcast3A_342 = vector.bitcast %and3A_341 : vector<16xi32> to vector<16xf32>
      %shift_left3A_343 = arith.constant 16 : i32
      %shift_left3A_344 = vector.broadcast %shift_left3A_343 : i32 to vector<16xi32>
      %shift_left3A_345 = arith.shli %gather3A_338, %shift_left3A_344 : vector<16xi32>
      %bitcast3A_346 = vector.bitcast %shift_left3A_345 : vector<16xi32> to vector<16xf32>
      %add3A_347 = arith.addf %add3A_249, %bitcast3A_342 : vector<16xf32>
      %add3A_348 = arith.addf %add3A_250, %bitcast3A_346 : vector<16xf32>
      %add3A_349 = vector.broadcast %scan3A_300 : i32 to vector<16xi32>
      %add3A_350 = arith.addi %add3A_12, %add3A_349 : vector<16xi32>
      %gather3A_351 = arith.constant 1 : i32
      %gather3A_352 = arith.constant 0 : i32
      %gather3A_353 = tpu.memref_slice %arg7[%gather3A_351, %gather3A_352] : memref<2x12864xi32, #tpu.memory_space<vmem>> -> memref<1x12864xi32, #tpu.memory_space<vmem>>
      %gather3A_354 = tpu.memref_squeeze %gather3A_353 : memref<1x12864xi32, #tpu.memory_space<vmem>> -> memref<12864xi32, #tpu.memory_space<vmem>>
      %gather3A_355 = tpu.vector_load_idx %gather3A_354[%add3A_350] : memref<12864xi32, #tpu.memory_space<vmem>>[vector<16xi32>], vector<16xi32>,
      %shift_right_logical3A_356 = arith.constant 7 : i32
      %shift_right_logical3A_357 = vector.broadcast %shift_right_logical3A_356 : i32 to vector<16xi32>
      %shift_right_logical3A_358 = arith.shrui %gather3A_355, %shift_right_logical3A_357 : vector<16xi32>
      %and3A_359 = arith.constant 127 : i32
      %and3A_360 = vector.broadcast %and3A_359 : i32 to vector<16xi32>
      %and3A_361 = arith.andi %gather3A_355, %and3A_360 : vector<16xi32>
      %gather3A_362 = tpu.vector_load_idx %arg6[%shift_right_logical3A_358, %and3A_361] : memref<782x128xi32, #tpu.memory_space<vmem>>[vector<16xi32>, vector<16xi32>], vector<16xi32>,
      %and3A_363 = arith.constant -65536 : i32
      %and3A_364 = vector.broadcast %and3A_363 : i32 to vector<16xi32>
      %and3A_365 = arith.andi %gather3A_362, %and3A_364 : vector<16xi32>
      %bitcast3A_366 = vector.bitcast %and3A_365 : vector<16xi32> to vector<16xf32>
      %shift_left3A_367 = arith.constant 16 : i32
      %shift_left3A_368 = vector.broadcast %shift_left3A_367 : i32 to vector<16xi32>
      %shift_left3A_369 = arith.shli %gather3A_362, %shift_left3A_368 : vector<16xi32>
      %bitcast3A_370 = vector.bitcast %shift_left3A_369 : vector<16xi32> to vector<16xf32>
      %add3A_371 = arith.addf %add3A_273, %bitcast3A_366 : vector<16xf32>
      %add3A_372 = arith.addf %add3A_274, %bitcast3A_370 : vector<16xf32>
      %add3A_373 = vector.broadcast %scan3A_300 : i32 to vector<16xi32>
      %add3A_374 = arith.addi %add3A_15, %add3A_373 : vector<16xi32>
      %gather3A_375 = arith.constant 1 : i32
      %gather3A_376 = arith.constant 0 : i32
      %gather3A_377 = tpu.memref_slice %arg7[%gather3A_375, %gather3A_376] : memref<2x12864xi32, #tpu.memory_space<vmem>> -> memref<1x12864xi32, #tpu.memory_space<vmem>>
      %gather3A_378 = tpu.memref_squeeze %gather3A_377 : memref<1x12864xi32, #tpu.memory_space<vmem>> -> memref<12864xi32, #tpu.memory_space<vmem>>
      %gather3A_379 = tpu.vector_load_idx %gather3A_378[%add3A_374] : memref<12864xi32, #tpu.memory_space<vmem>>[vector<16xi32>], vector<16xi32>,
      %shift_right_logical3A_380 = arith.constant 7 : i32
      %shift_right_logical3A_381 = vector.broadcast %shift_right_logical3A_380 : i32 to vector<16xi32>
      %shift_right_logical3A_382 = arith.shrui %gather3A_379, %shift_right_logical3A_381 : vector<16xi32>
      %and3A_383 = arith.constant 127 : i32
      %and3A_384 = vector.broadcast %and3A_383 : i32 to vector<16xi32>
      %and3A_385 = arith.andi %gather3A_379, %and3A_384 : vector<16xi32>
      %gather3A_386 = tpu.vector_load_idx %arg6[%shift_right_logical3A_382, %and3A_385] : memref<782x128xi32, #tpu.memory_space<vmem>>[vector<16xi32>, vector<16xi32>], vector<16xi32>,
      %and3A_387 = arith.constant -65536 : i32
      %and3A_388 = vector.broadcast %and3A_387 : i32 to vector<16xi32>
      %and3A_389 = arith.andi %gather3A_386, %and3A_388 : vector<16xi32>
      %bitcast3A_390 = vector.bitcast %and3A_389 : vector<16xi32> to vector<16xf32>
      %shift_left3A_391 = arith.constant 16 : i32
      %shift_left3A_392 = vector.broadcast %shift_left3A_391 : i32 to vector<16xi32>
      %shift_left3A_393 = arith.shli %gather3A_386, %shift_left3A_392 : vector<16xi32>
      %bitcast3A_394 = vector.bitcast %shift_left3A_393 : vector<16xi32> to vector<16xf32>
      %add3A_395 = arith.addf %add3A_297, %bitcast3A_390 : vector<16xf32>
      %add3A_396 = arith.addf %add3A_298, %bitcast3A_394 : vector<16xf32>
      scf.yield %add3A_323, %add3A_347, %add3A_371, %add3A_395, %add3A_324, %add3A_348, %add3A_372, %add3A_396 : vector<16xf32>, vector<16xf32>, vector<16xf32>, vector<16xf32>, vector<16xf32>, vector<16xf32>, vector<16xf32>, vector<16xf32>
    }
    %scan3A_161 = arith.constant 200 : i32
    %swap3A_162 = arith.constant 0 : i32
    %swap3A_163 = arith.index_cast %swap3A_162 : i32 to index
    %swap3A_164 = arith.constant 960 : index
    %swap3A_165 = tpu.vector_load %arg8[%swap3A_163, %swap3A_164] {strides = array<i32>} : memref<2x1024xf32, #tpu.memory_space<vmem>>, vector<16xf32>,
    tpu.vector_store %arg8[%swap3A_163, %swap3A_164], %scan3A_160#0 {strides = array<i32>} : memref<2x1024xf32, #tpu.memory_space<vmem>>, vector<16xf32>,
    %swap3A_166 = arith.constant 1 : i32
    %swap3A_167 = arith.index_cast %swap3A_166 : i32 to index
    %swap3A_168 = arith.constant 960 : index
    %swap3A_169 = tpu.vector_load %arg8[%swap3A_167, %swap3A_168] {strides = array<i32>} : memref<2x1024xf32, #tpu.memory_space<vmem>>, vector<16xf32>,
    tpu.vector_store %arg8[%swap3A_167, %swap3A_168], %scan3A_160#4 {strides = array<i32>} : memref<2x1024xf32, #tpu.memory_space<vmem>>, vector<16xf32>,
    %swap3A_170 = arith.constant 0 : i32
    %swap3A_171 = arith.index_cast %swap3A_170 : i32 to index
    %swap3A_172 = arith.constant 976 : index
    %swap3A_173 = tpu.vector_load %arg8[%swap3A_171, %swap3A_172] {strides = array<i32>} : memref<2x1024xf32, #tpu.memory_space<vmem>>, vector<16xf32>,
    tpu.vector_store %arg8[%swap3A_171, %swap3A_172], %scan3A_160#1 {strides = array<i32>} : memref<2x1024xf32, #tpu.memory_space<vmem>>, vector<16xf32>,
    %swap3A_174 = arith.constant 1 : i32
    %swap3A_175 = arith.index_cast %swap3A_174 : i32 to index
    %swap3A_176 = arith.constant 976 : index
    %swap3A_177 = tpu.vector_load %arg8[%swap3A_175, %swap3A_176] {strides = array<i32>} : memref<2x1024xf32, #tpu.memory_space<vmem>>, vector<16xf32>,
    tpu.vector_store %arg8[%swap3A_175, %swap3A_176], %scan3A_160#5 {strides = array<i32>} : memref<2x1024xf32, #tpu.memory_space<vmem>>, vector<16xf32>,
    %swap3A_178 = arith.constant 0 : i32
    %swap3A_179 = arith.index_cast %swap3A_178 : i32 to index
    %swap3A_180 = arith.constant 992 : index
    %swap3A_181 = tpu.vector_load %arg8[%swap3A_179, %swap3A_180] {strides = array<i32>} : memref<2x1024xf32, #tpu.memory_space<vmem>>, vector<16xf32>,
    tpu.vector_store %arg8[%swap3A_179, %swap3A_180], %scan3A_160#2 {strides = array<i32>} : memref<2x1024xf32, #tpu.memory_space<vmem>>, vector<16xf32>,
    %swap3A_182 = arith.constant 1 : i32
    %swap3A_183 = arith.index_cast %swap3A_182 : i32 to index
    %swap3A_184 = arith.constant 992 : index
    %swap3A_185 = tpu.vector_load %arg8[%swap3A_183, %swap3A_184] {strides = array<i32>} : memref<2x1024xf32, #tpu.memory_space<vmem>>, vector<16xf32>,
    tpu.vector_store %arg8[%swap3A_183, %swap3A_184], %scan3A_160#6 {strides = array<i32>} : memref<2x1024xf32, #tpu.memory_space<vmem>>, vector<16xf32>,
    %swap3A_186 = arith.constant 0 : i32
    %swap3A_187 = arith.index_cast %swap3A_186 : i32 to index
    %swap3A_188 = arith.constant 1008 : index
    %swap3A_189 = tpu.vector_load %arg8[%swap3A_187, %swap3A_188] {strides = array<i32>} : memref<2x1024xf32, #tpu.memory_space<vmem>>, vector<16xf32>,
    tpu.vector_store %arg8[%swap3A_187, %swap3A_188], %scan3A_160#3 {strides = array<i32>} : memref<2x1024xf32, #tpu.memory_space<vmem>>, vector<16xf32>,
    %swap3A_190 = arith.constant 1 : i32
    %swap3A_191 = arith.index_cast %swap3A_190 : i32 to index
    %swap3A_192 = arith.constant 1008 : index
    %swap3A_193 = tpu.vector_load %arg8[%swap3A_191, %swap3A_192] {strides = array<i32>} : memref<2x1024xf32, #tpu.memory_space<vmem>>, vector<16xf32>,
    tpu.vector_store %arg8[%swap3A_191, %swap3A_192], %scan3A_160#7 {strides = array<i32>} : memref<2x1024xf32, #tpu.memory_space<vmem>>, vector<16xf32>,
    %run_scoped3A_194 = arith.constant 0 : i32
    "tpu.region"() ({
      %run_scoped3A_198 = tpu.sem_alloc : memref<!tpu.dma_semaphore, #tpu.memory_space<semaphore_mem>>
      %dma_start3A_199 = arith.constant 0 : i32
      %dma_start3A_200 = tpu.memref_slice %arg8[%run_scoped3A_194, %dma_start3A_199] : memref<2x1024xf32, #tpu.memory_space<vmem>> -> memref<1x1024xf32, #tpu.memory_space<vmem>>
      %dma_start3A_201 = tpu.memref_squeeze %dma_start3A_200 : memref<1x1024xf32, #tpu.memory_space<vmem>> -> memref<1024xf32, #tpu.memory_space<vmem>>
      %dma_start3A_202 = arith.constant 0 : i32
      %dma_start3A_203 = tpu.memref_slice %arg5[%add3A, %dma_start3A_202] : memref<64x1024xf32, #tpu.memory_space<hbm>> -> memref<1x1024xf32, #tpu.memory_space<hbm>>
      %dma_start3A_204 = tpu.memref_squeeze %dma_start3A_203 : memref<1x1024xf32, #tpu.memory_space<hbm>> -> memref<1024xf32, #tpu.memory_space<hbm>>
      %dma_start3A_205 = arith.constant 0 : i32
      %dma_start3A_206 = tpu.memref_slice %arg5[%add3A, %dma_start3A_205] : memref<64x1024xf32, #tpu.memory_space<hbm>> -> memref<1x1024xf32, #tpu.memory_space<hbm>>
      %dma_start3A_207 = tpu.memref_squeeze %dma_start3A_206 : memref<1x1024xf32, #tpu.memory_space<hbm>> -> memref<1024xf32, #tpu.memory_space<hbm>>
      %dma_start3A_208 = arith.constant 0 : i32
      %dma_start3A_209 = tpu.memref_slice %arg8[%run_scoped3A_194, %dma_start3A_208] : memref<2x1024xf32, #tpu.memory_space<vmem>> -> memref<1x1024xf32, #tpu.memory_space<vmem>>
      %dma_start3A_210 = tpu.memref_squeeze %dma_start3A_209 : memref<1x1024xf32, #tpu.memory_space<vmem>> -> memref<1024xf32, #tpu.memory_space<vmem>>
      tpu.enqueue_dma source(%dma_start3A_210 : memref<1024xf32, #tpu.memory_space<vmem>>) target(%dma_start3A_207 : memref<1024xf32, #tpu.memory_space<hbm>>) target_semaphore(%run_scoped3A_198 : memref<!tpu.dma_semaphore, #tpu.memory_space<semaphore_mem>>)
      %dma_wait3A_211 = arith.constant 0 : i32
      %dma_wait3A_212 = tpu.memref_slice %arg8[%run_scoped3A_194, %dma_wait3A_211] : memref<2x1024xf32, #tpu.memory_space<vmem>> -> memref<1x1024xf32, #tpu.memory_space<vmem>>
      %dma_wait3A_213 = tpu.memref_squeeze %dma_wait3A_212 : memref<1x1024xf32, #tpu.memory_space<vmem>> -> memref<1024xf32, #tpu.memory_space<vmem>>
      %dma_wait3A_214 = arith.constant 0 : i32
      %dma_wait3A_215 = tpu.memref_slice %arg5[%add3A, %dma_wait3A_214] : memref<64x1024xf32, #tpu.memory_space<hbm>> -> memref<1x1024xf32, #tpu.memory_space<hbm>>
      %dma_wait3A_216 = tpu.memref_squeeze %dma_wait3A_215 : memref<1x1024xf32, #tpu.memory_space<hbm>> -> memref<1024xf32, #tpu.memory_space<hbm>>
      %dma_wait3A_217 = arith.constant 0 : i32
      %dma_wait3A_218 = tpu.memref_slice %arg5[%add3A, %dma_wait3A_217] : memref<64x1024xf32, #tpu.memory_space<hbm>> -> memref<1x1024xf32, #tpu.memory_space<hbm>>
      %dma_wait3A_219 = tpu.memref_squeeze %dma_wait3A_218 : memref<1x1024xf32, #tpu.memory_space<hbm>> -> memref<1024xf32, #tpu.memory_space<hbm>>
      %dma_wait3A_220 = arith.constant 0 : i32
      %dma_wait3A_221 = tpu.memref_slice %arg8[%run_scoped3A_194, %dma_wait3A_220] : memref<2x1024xf32, #tpu.memory_space<vmem>> -> memref<1x1024xf32, #tpu.memory_space<vmem>>
      %dma_wait3A_222 = tpu.memref_squeeze %dma_wait3A_221 : memref<1x1024xf32, #tpu.memory_space<vmem>> -> memref<1024xf32, #tpu.memory_space<vmem>>
      tpu.wait_dma2 semaphore(%run_scoped3A_198 : memref<!tpu.dma_semaphore, #tpu.memory_space<semaphore_mem>>) src(%dma_wait3A_222 : memref<1024xf32, #tpu.memory_space<vmem>>) dst(%dma_wait3A_219 : memref<1024xf32, #tpu.memory_space<hbm>>)
      tpu.yield
    }) : () -> ()
    %add3A_195 = arith.constant 32 : i32
    %add3A_196 = arith.addi %add3A, %add3A_195 : i32
    %run_scoped3A_197 = arith.constant 1 : i32
    "tpu.region"() ({
      %run_scoped3A_198 = tpu.sem_alloc : memref<!tpu.dma_semaphore, #tpu.memory_space<semaphore_mem>>
      %dma_start3A_199 = arith.constant 0 : i32
      %dma_start3A_200 = tpu.memref_slice %arg8[%run_scoped3A_197, %dma_start3A_199] : memref<2x1024xf32, #tpu.memory_space<vmem>> -> memref<1x1024xf32, #tpu.memory_space<vmem>>
      %dma_start3A_201 = tpu.memref_squeeze %dma_start3A_200 : memref<1x1024xf32, #tpu.memory_space<vmem>> -> memref<1024xf32, #tpu.memory_space<vmem>>
      %dma_start3A_202 = arith.constant 0 : i32
      %dma_start3A_203 = tpu.memref_slice %arg5[%add3A_196, %dma_start3A_202] : memref<64x1024xf32, #tpu.memory_space<hbm>> -> memref<1x1024xf32, #tpu.memory_space<hbm>>
      %dma_start3A_204 = tpu.memref_squeeze %dma_start3A_203 : memref<1x1024xf32, #tpu.memory_space<hbm>> -> memref<1024xf32, #tpu.memory_space<hbm>>
      %dma_start3A_205 = arith.constant 0 : i32
      %dma_start3A_206 = tpu.memref_slice %arg5[%add3A_196, %dma_start3A_205] : memref<64x1024xf32, #tpu.memory_space<hbm>> -> memref<1x1024xf32, #tpu.memory_space<hbm>>
      %dma_start3A_207 = tpu.memref_squeeze %dma_start3A_206 : memref<1x1024xf32, #tpu.memory_space<hbm>> -> memref<1024xf32, #tpu.memory_space<hbm>>
      %dma_start3A_208 = arith.constant 0 : i32
      %dma_start3A_209 = tpu.memref_slice %arg8[%run_scoped3A_197, %dma_start3A_208] : memref<2x1024xf32, #tpu.memory_space<vmem>> -> memref<1x1024xf32, #tpu.memory_space<vmem>>
      %dma_start3A_210 = tpu.memref_squeeze %dma_start3A_209 : memref<1x1024xf32, #tpu.memory_space<vmem>> -> memref<1024xf32, #tpu.memory_space<vmem>>
      tpu.enqueue_dma source(%dma_start3A_210 : memref<1024xf32, #tpu.memory_space<vmem>>) target(%dma_start3A_207 : memref<1024xf32, #tpu.memory_space<hbm>>) target_semaphore(%run_scoped3A_198 : memref<!tpu.dma_semaphore, #tpu.memory_space<semaphore_mem>>)
      %dma_wait3A_211 = arith.constant 0 : i32
      %dma_wait3A_212 = tpu.memref_slice %arg8[%run_scoped3A_197, %dma_wait3A_211] : memref<2x1024xf32, #tpu.memory_space<vmem>> -> memref<1x1024xf32, #tpu.memory_space<vmem>>
      %dma_wait3A_213 = tpu.memref_squeeze %dma_wait3A_212 : memref<1x1024xf32, #tpu.memory_space<vmem>> -> memref<1024xf32, #tpu.memory_space<vmem>>
      %dma_wait3A_214 = arith.constant 0 : i32
      %dma_wait3A_215 = tpu.memref_slice %arg5[%add3A_196, %dma_wait3A_214] : memref<64x1024xf32, #tpu.memory_space<hbm>> -> memref<1x1024xf32, #tpu.memory_space<hbm>>
      %dma_wait3A_216 = tpu.memref_squeeze %dma_wait3A_215 : memref<1x1024xf32, #tpu.memory_space<hbm>> -> memref<1024xf32, #tpu.memory_space<hbm>>
      %dma_wait3A_217 = arith.constant 0 : i32
      %dma_wait3A_218 = tpu.memref_slice %arg5[%add3A_196, %dma_wait3A_217] : memref<64x1024xf32, #tpu.memory_space<hbm>> -> memref<1x1024xf32, #tpu.memory_space<hbm>>
      %dma_wait3A_219 = tpu.memref_squeeze %dma_wait3A_218 : memref<1x1024xf32, #tpu.memory_space<hbm>> -> memref<1024xf32, #tpu.memory_space<hbm>>
      %dma_wait3A_220 = arith.constant 0 : i32
      %dma_wait3A_221 = tpu.memref_slice %arg8[%run_scoped3A_197, %dma_wait3A_220] : memref<2x1024xf32, #tpu.memory_space<vmem>> -> memref<1x1024xf32, #tpu.memory_space<vmem>>
      %dma_wait3A_222 = tpu.memref_squeeze %dma_wait3A_221 : memref<1x1024xf32, #tpu.memory_space<vmem>> -> memref<1024xf32, #tpu.memory_space<vmem>>
      tpu.wait_dma2 semaphore(%run_scoped3A_198 : memref<!tpu.dma_semaphore, #tpu.memory_space<semaphore_mem>>) src(%dma_wait3A_222 : memref<1024xf32, #tpu.memory_space<vmem>>) dst(%dma_wait3A_219 : memref<1024xf32, #tpu.memory_space<hbm>>)
      tpu.yield
    }) : () -> ()
    return
  }
}

</mosaic_0001>

<sc_bundles>
// kernel: kernel.3.cloned.1.call-start
scs
__scs_entry_jumppad:
0x0: {  	(pc) =	sbr.rel $0x88, $3  }
0x1: {  	(tag) =	ssettag $0x0;
	lr =	simm.s32 $0x1  }
0x2: {  	[smem:$0x3F9E] =	sst lr;
	_ =	strace $0xD0000000  }
0x3: {  	_ = 	snop  }
0x4: {  	_ = 	snop  }
0x5: {  	_ = 	snop  }
0x6: {  	_ = 	snop  }
0x7: {  	_ = 	snop  }
__scs_overlays_trampoline_lowered:
0x8: {  	[smem:$0x3FAD] =	sst s0  }
0x9: {  	[smem:$0x3FAE] =	sst s1  }
0xa: {  	[smem:$0x3FAF] =	sst s2  }
0xb: {  	[smem:$0x3FB0] =	sst s3  }
0xc: {  	[smem:$0x3FB1] =	sst s4  }
0xd: {  	[smem:$0x3FB2] =	sst s5  }
0xe: {  	[smem:$0x3FB3] =	sst s6  }
0xf: {  	[smem:$0x3FB4] =	sst s7  }
0x10: {  	[smem:$0x3FB5] =	sst s8  }
0x11: {  	[smem:$0x3FB6] =	sst s9;
	s0 =	simm.s32 @!p0 $0x0  }
0x12: {  	s1 =	sld [smem:$0x3F9C];
	s0 =	simm.s32 @p0 $0x1  }
0x13: {  	[smem:$0x3FB7] =	sst s0;
	s0 =	simm.s32 @!p1 $0x0  }
0x14: {  	s2 =	sld [smem:$0x3F9B];
	s0 =	simm.s32 @p1 $0x1  }
0x15: {  	[smem:$0x3FB8] =	sst s0;
	s0 =	simm.s32 @!p2 $0x0  }
0x16: {  	s3 =	sld [smem:$0x3FDB];
	s0 =	simm.s32 @p2 $0x1  }
0x17: {  	s4 =	simm.s32 $0x1BF5;
	[smem:$0x3FBA] =	sst s0  }
0x18: {  	s0 =	sld [smem:$0x3F9D];
	_ =	swait.ge [sflag:s4], $0x0  }
0x19: {  	s7 =	sld [smem:$0x3F9E]  }
0x1a: {  	s8 =	sadd.s32 $0xFFFFE003, lr  }
0x1b: {  	s9 =	sadd.s32 $0xFFFFFEF7, lr;
	s5 =	simm.s32 $0xFFFFFFFF;
	p2 =	slt.u32 s8, $0xFFFFF086  }
0x1c: {  	p1 =	slt.u32 s9, $0xF7A;
	s5 =	simm.s32 @!p2 $0x0  }
0x1d: {  	s5 =	simm.s32 @p1 $0x1;
	p0 =	seq.s32 s7, s2  }
0x1e: {  	s7 =	smul.u32 @!p0 $0xF7A, s2;
	p2 =	seq.s32 @!p0 s5, $0x0  }
0x1f: {  	s9 =	smul.u32 $0xF7A, s1;
	s8 =	simm.s32 @!p0 $0x1BF5;
	p2 =	por !p2, p0  }
0x20: {  	[sflag:s8] =	ssyncset.s32 @!p0 $0xFFFFF086;
	s6 =	sadd.s32 @!p0 s3, s7;
	s7 =	simm.s32 @!p0 $0x108  }
0x21: {  	s3 =	sadd.s32 s3, s9;
	s6 =	sadd.s32 @!p0 $0x88, s6;
	s7 =	simm.s32 @p2 $0x1082  }
0x22: {  	[simem:s7], [sflag:s8] =	dma.local @!p0 [hbm:s6], $0xF7A  }
0x23: {  	s9 =	sor.u32 $0xD0000000, s2;
	s6 =	simm.s32 $0x108;
	_ =	swait.ge @!p0 [sflag:s8], $0x0  }
0x24: {  	s3 =	sadd.s32 $0x88, s3;
	s6 =	simm.s32 @!p1 $0x1082;
	[sflag:s4] =	ssyncset.s32 $0xFFFFF086  }
0x25: {  	[simem:s6], [sflag:s4] =	dma.local [hbm:s3], $0xF7A  }
0x26: {  	[smem:$0x3F9E] =	sst s1;
	(tag) =	ssettag s2;
	_ =	strace s9  }
0x27: {  	s1 =	sld [smem:$0x3FAE]  }
0x28: {  	s2 =	sld [smem:$0x3FAF]  }
0x29: {  	s4 =	sld [smem:$0x3FB1]  }
0x2a: {  	p0 =	seq.s32 s5, $0x0;
	s5 =	sld [smem:$0x3FB2]  }
0x2b: {  	s6 =	sld [smem:$0x3FB3]  }
0x2c: {  	s7 =	sld [smem:$0x3FB4]  }
0x2d: {  	s3 =	simm.s32 $0x108;
	s8 =	sld [smem:$0x3FB5]  }
0x2e: {  	s3 =	simm.s32 @!p0 $0x1082;
	s9 =	sld [smem:$0x3FB6]  }
0x2f: {  	lr =	sadd.s32 s0, s3;
	s0 =	sld [smem:$0x3FAD]  }
0x30: {  	s3 =	sld [smem:$0x3FB0]  }
0x31: {  	[smem:$0x3FB9] =	sst s10  }
0x32: {  	s10 =	sld [smem:$0x3FB7];
	_ =	sdelay $0x3  }
0x33: {  	p0 =	seq.s32 s10, $0x1;
	s10 =	sld [smem:$0x3FB9];
	_ =	sdelay $0x3  }
0x34: {  	[smem:$0x3FB9] =	sst s10  }
0x35: {  	s10 =	sld [smem:$0x3FB8];
	_ =	sdelay $0x3  }
0x36: {  	p1 =	seq.s32 s10, $0x1;
	s10 =	sld [smem:$0x3FB9];
	_ =	sdelay $0x3  }
0x37: {  	[smem:$0x3FB9] =	sst s10  }
0x38: {  	s10 =	sld [smem:$0x3FBA]  }
0x39: {  	_ = 	snop;
	(pc) =	sbr.ind lr, $3  }
0x3a: {  	_ = 	snop  }
0x3b: {  	_ = 	snop  }
0x3c: {  	p2 =	seq.s32 s10, $0x1;
	s10 =	sld [smem:$0x3FB9]  }
0x3d: {  	_ =	shalt  }
0x3e: {  	_ =	shalt  }
0x3f: {  	_ =	shalt  }
0x40: {  	_ =	shalt  }
0x41: {  	_ =	shalt  }
0x42: {  	_ =	shalt  }
0x43: {  	_ =	shalt  }
0x44: {  	_ =	shalt  }
0x45: {  	_ =	shalt  }
0x46: {  	_ =	shalt  }
0x47: {  	_ =	shalt  }
0x48: {  	_ =	shalt  }
0x49: {  	_ =	shalt  }
0x4a: {  	_ =	shalt  }
0x4b: {  	_ =	shalt  }
0x4c: {  	_ =	shalt  }
0x4d: {  	_ =	shalt  }
0x4e: {  	_ =	shalt  }
0x4f: {  	_ =	shalt  }
0x50: {  	_ =	shalt  }
0x51: {  	_ =	shalt  }
0x52: {  	_ =	shalt  }
0x53: {  	_ =	shalt  }
0x54: {  	_ =	shalt  }
0x55: {  	_ =	shalt  }
0x56: {  	_ =	shalt  }
0x57: {  	_ =	shalt  }
0x58: {  	_ =	shalt  }
0x59: {  	_ =	shalt  }
0x5a: {  	_ =	shalt  }
0x5b: {  	_ =	shalt  }
0x5c: {  	_ =	shalt  }
0x5d: {  	_ =	shalt  }
0x5e: {  	_ =	shalt  }
0x5f: {  	_ =	shalt  }
0x60: {  	_ =	shalt  }
0x61: {  	_ =	shalt  }
0x62: {  	_ =	shalt  }
0x63: {  	_ =	shalt  }
0x64: {  	_ =	shalt  }
0x65: {  	_ =	shalt  }
0x66: {  	_ =	shalt  }
0x67: {  	_ =	shalt  }
0x68: {  	_ =	shalt  }
0x69: {  	_ =	shalt  }
0x6a: {  	_ =	shalt  }
0x6b: {  	_ =	shalt  }
0x6c: {  	_ =	shalt  }
0x6d: {  	_ =	shalt  }
0x6e: {  	_ =	shalt  }
0x6f: {  	_ =	shalt  }
0x70: {  	_ =	shalt  }
0x71: {  	_ =	shalt  }
0x72: {  	_ =	shalt  }
0x73: {  	_ =	shalt  }
0x74: {  	_ =	shalt  }
0x75: {  	_ =	shalt  }
0x76: {  	_ =	shalt  }
0x77: {  	_ =	shalt  }
0x78: {  	_ =	shalt  }
0x79: {  	_ =	shalt  }
0x7a: {  	_ =	shalt  }
0x7b: {  	_ =	shalt  }
0x7c: {  	_ =	shalt  }
0x7d: {  	_ =	shalt  }
0x7e: {  	_ =	shalt  }
0x7f: {  	_ =	shalt  }
0x80: {  	_ =	shalt  }
0x81: {  	_ =	shalt  }
0x82: {  	_ =	shalt  }
0x83: {  	_ =	shalt  }
0x84: {  	_ =	shalt  }
0x85: {  	_ =	shalt  }
0x86: {  	_ =	shalt  }
0x87: {  	_ =	shalt  }
.Lfunc_end0:
.L_simem_size_0:
called_computation_lowered:
.L_overlay_start_0:
0x88: {  	s2 =	sld [smem:$0x3FD9]  }
0x89: {  	s3 =	sld [smem:$0x3FFE];
	_ =	sdelay $0x1  }
0x8a: {  	s1 =	srdreg.scid  }
0x8b: {  	s0 =	sand.u32 $0x1, s1  }
0x8c: {  	s17 =	sshll.u32 s0, $0xA;
	s2 =	sadd.s32 s3, s2  }
0x8d: {  	s2 =	sadd.s32 s2, s17  }
0x8e: {  	[smem:$0x3FC5] =	sst s2  }
0x8f: {  	_ = 	snop  }
0x90: {  	s2 =	sld [smem:$0x3FD0];
	(tm) =	ssettm $0x1  }
0x91: {  	s18 =	sld [smem:$0x3FFB];
	_ =	sdelay $0x3  }
0x92: {  	_ =	strace s18  }
0x93: {  	s3 =	sld [smem:$0x3FFC];
	_ =	sdelay $0x3  }
0x94: {  	_ =	strace s3  }
0x95: {  	s3 =	sld [smem:$0x3FFD];
	_ =	sdelay $0x3  }
0x96: {  	_ =	strace s3  }
0x97: {  	_ =	strace $0x8FFFFFFF  }
0x98: {  	s19 =	sld [smem:$0x3FDB];
	_ =	sdelay $0x1  }
0x99: {  	s4 =	simm.s32 $_scs_section_size  }
0x9a: {  	s5 =	simm.s32 $_size__tile_overlayer_lowered;
	s6 =	simm.s32 $_tile_overlayer_lowered  }
0x9b: {  	s22 =	simm.s32 $0x1BFF;
	s21 =	sshll.u32 s6, $0x1;
	s3 =	sadd.s32 s4, s19  }
0x9c: {  	s7 =	simm.s32 $0x0;
	s20 =	sshll.u32 s5, $0x1;
	s5 =	sadd.s32 s21, s3  }
0x9d: {  	[timem:s7], [sflag:s22] =	dma.local [hbm:s5], s20  }
0x9e: {  	_ =	swait.ge [sflag:s22], s20  }
0x9f: {  	s4 =	ssub.s32 $0x0, s20;
	[sflag:s22] =	ssyncset.done $0x0  }
0xa0: {  	[sflag:s22] =	ssyncadd.s32 s4;
	_ =	sdelay $0x1  }
0xa1: {  	s23 =	simm.s32 $0x1B8B  }
0xa2: {  	_ =	swait.ge [sflag:s23], $0x1  }
0xa3: {  	[sflag:s23] =	ssyncset.done $0x0  }
0xa4: {  	s25 =	simm.s32 $0x1B8E;
	s24 =	sld [smem:$0x3FFE];
	[sflag:s23] =	ssyncadd.s32 $0xFFFFFFFF  }
0xa5: {  	s26 =	simm.s32 $execute0_lowered;
	[smem:$0x3FD2] =	sst s25  }
0xa6: {  	s5 =	sshll.u32 s26, $0x1;
	_ =	strace $0x80000046;
	[dreg:$0x1] =	wrdreg $0xFFFFFFFF  }
0xa7: {  	s28 =	simm.s32 $_size_execute0_lowered;
	s3 =	sadd.s32 s3, s5;
	[dreg:$0x0] =	wrdreg $0x0  }
0xa8: {  	s5 =	sshll.u32 s28, $0x1;
	[dreg:$0x2] =	wrdreg s3  }
0xa9: {  	[dreg:$0x3] =	wrdreg s5  }
0xaa: {  	[dreg:$0x4] =	wrdreg $0xC0  }
0xab: {  	_ =	task [dreg:s7], $0x5FFFF  }
0xac: {  	[dreg:$0x1] =	wrdreg $0xFFFFFFFF  }
0xad: {  	[dreg:$0x0] =	wrdreg $0x60  }
0xae: {  	[dreg:$0x2] =	wrdreg s24  }
0xaf: {  	[dreg:$0x3] =	wrdreg s2  }
0xb0: {  	[dreg:$0x4] =	wrdreg $0x9  }
0xb1: {  	_ =	task.clear_ibuf [dreg:s7], $0x5FFFF;
	_ =	strace $0x90000046  }
0xb2: {  	s29 =	simm.s32 $0x9;
	_ =	strace $0x80000048  }
0xb3: {  	_ =	swait.ge [sflag:s29], $0x1  }
0xb4: {  	[sflag:s29] =	ssyncadd.s32 $0xFFFFFFFF  }
0xb5: {  	_ =	strace $0x90000048  }
0xb6: {  	_ =	sfence  }
0xb7: {  	s30 =	sld [smem:$0x0];
	_ =	sdelay $0x2  }
0xb8: {  	s31 =	sshll.u32 s1, $0xD;
	s1 =	sshrl.u32 s1, $0x2  }
0xb9: {  	s3 =	sand.u32 $0x4000, s31;
	s1 =	sadd.s32 s1, s30  }
0xba: {  	s0 =	sor.u32 s3, s0;
	s1 =	sshll.u32 s1, $0x11  }
0xbb: {  	s0 =	sor.u32 s1, s0  }
0xbc: {  	s0 =	sadd.s32 $0x8F2B, s0  }
0xbd: {  	[sflag:s0] =	ssyncadd.remote.s32 $0x1  }
0xbe: {  	_ =	sfence.sel $0xFFFF  }
0xbf: {  	[dreg:$0x0] =	wrdreg $0xFFFFFFFF;
	(pc) =	sbr.abs _section_cstart, $3  }
0xc0: {  	[dreg:$0x1] =	wrdreg $0xFFFFFFFF  }
0xc1: {  	_ =	task.clear_ibuf [dreg:s7], $0x2FFFF;
	_ =	strace $0x9FFFFFFF  }
0xc2: {  	(tm) =	ssettm $0x7FFFFFFF  }
0xc3: {  	_ =	shalt  }
tec
execute0_lowered:
.L_overlay_start_1:
0x0: {  	(tag) =	ssettag $0x1  }
0x1: {  	s5 =	rddreg [dreg:$0x0];
	s1 =	srdreg.scid  }
0x2: {  	s0 =	stileid.u32;
	s7 =	rddreg [dreg:$0x1];
	s13 =	simm.s32 $0x18700  }
0x3: {  	s14 =	simm.s32 $0x1B940;
	s15 =	simm.s32 $0x1F380;
	s16 =	simm.s32 $0x4  }
0x4: {  	s17 =	simm.s32 $0x1F390;
	s18 =	simm.s32 $0x3;
	s19 =	simm.s32 $0x1  }
0x5: {  	s20 =	simm.s32 $0x2;
	s21 =	simm.s32 $0x1EB80;
	s22 =	simm.s32 $0x1EF80  }
0x6: {  	s23 =	simm.s32 $0x0;
	s3 =	sand.u32 $0x1, s1;
	s2 =	sshll.u32 s0, $0x1  }
0x7: {  	s1 =	rddreg [dreg:$0x2];
	s4 =	sshrl.u32 s0, $0x2;
	s11 =	sadd.s32 $0x68A00, s5  }
0x8: {  	s6 =	sor.u32 s3, s2;
	s2 =	simm.s32 $0x0;
	s4 =	smul.u32 $0xC3800, s4  }
0x9: {  	s28 =	ssub.s32 $0x2, s3;
	s3 =	sadd.s32 $0x62400, s5;
	s8 =	sshll.u32 s6, $0x7  }
0xa: {  	[smem:$0x7FF] =	sst s2;
	s10 =	sshrl.u32 s28, $0x1;
	s29 =	sshll.u32 s6, $0x1  }
0xb: {  	s12 =	sor.u32 $0x20, s6;
	s9 =	sand.u32 $0x380, s8;
	_ =	strace $0x80000047  }
0xc: {  	s10 =	ssub.s32 s28, s10;
	s6 =	sadd.s32 s7, s29;
	s30 =	sshll.u32 s12, $0x1  }
0xd: {  	v0 =	vlaneseq.u32;
	s8 =	sadd.s32 s11, s8;
	s31 =	sshll.u32 s12, $0x7;
	s4 =	sor.u32 s4, s9  }
0xe: {  	v0 =	vmul.u32 $0xC9, v0;
	s12 =	simm.s32 $0x400;
	s7 =	sadd.s32 s7, s30;
	s4 =	sshrl.u32 s4, $0x3  }
0xf: {  	s9 =	sadd.s32 s11, s31;
	s10 =	smax.u32 s10, $0x1;
	s4 =	sadd.s32 s4, s5  }
0x10: {  	v1 =	vadd.s32 $0xC90, v0;
	v2 =	vadd.s32 $0x1920, v0;
	v3 =	vadd.s32 $0x25B0, v0;
	s11 =	simm.s32 $0x80;
	s5 =	sadd.s32 $0x62A48, s5;
	s4 =	sadd.s32 $0x800, s4  }
.LBB2_1:
0x11: {  	[tilespmem:s2], [sflag:$0x3] =	stream.strided.gather [hbm4b:s4+s11], $0x18700, s12, s11, $0x38;
	[tilespmem:$0x1F3A0] =	vst v63  }
0x12: {  	_ = 	snop  }
0x13: {  	[tilespmem:s13], [sflag:$0x1] =	stream.linear.gather [hbm4b:s3+s2], $0x3240, $0x38;
	[tilespmem:$0x1F3A0] =	vst v63  }
0x14: {  	_ = 	snop  }
0x15: {  	[tilespmem:s14], [sflag:$0x2] =	stream.linear.gather [hbm4b:s5+s2], $0x3240, $0x38;
	[tilespmem:$0x1F3A0] =	vst v63  }
0x16: {  	_ = 	snop  }
0x17: {  	[tilespmem:s15], [sflag:$0x4] =	stream.linear.gather [hbm4b:s6+s2], $0x10, $0x38;
	[tilespmem:$0x1F3A0] =	vst v63  }
0x18: {  	_ =	swait.ge [sflag:s16], $0x10  }
0x19: {  	[sflag:s16] =	ssyncset.done $0x0  }
0x1a: {  	[sflag:s16] =	ssyncadd.s32 $0xFFFFFFF0  }
0x1b: {  	[tilespmem:s17], [sflag:$0x4] =	stream.linear.gather [hbm4b:s7+s2], $0x10, $0x38;
	[tilespmem:$0x1F3A0] =	vst v63  }
0x1c: {  	_ =	swait.ge [sflag:s16], $0x10  }
0x1d: {  	[sflag:s16] =	ssyncset.done $0x0  }
0x1e: {  	[sflag:s16] =	ssyncadd.s32 $0xFFFFFFF0  }
0x1f: {  	v4 =	vld [tilespmem:$0x1F380]  }
0x20: {  	v5 =	vld [tilespmem:$0x1F390];
	_ =	swait.ge [sflag:s18], $0x18700  }
0x21: {  	[sflag:s18] =	ssyncset.done $0x0  }
0x22: {  	s24 =	simm.s32 $0x0;
	[sflag:s18] =	ssyncadd.s32 $0xFFFE7900  }
.LBB2_2:
0x23: {  	s25 =	simm.s32 $0x0  }
0x24: {  	v6 =	vadd.s32 s25, v0  }
0x25: {  	v7 =	vadd.s32 s25, v1  }
0x26: {  	_ =	swait.ge [sflag:s19], $0x3240;
	v8 =	vadd.s32 s25, v2  }
0x27: {  	s31 =	simm.s32 $0x1;
	[sflag:s19] =	ssyncset.done $0x0;
	v9 =	vadd.s32 s25, v3  }
0x28: {  	v10 =	vadd.s32 s31, v0;
	[sflag:s19] =	ssyncadd.s32 $0xFFFFCDC0  }
0x29: {  	v11 =	vadd.s32 s31, v1;
	v6 =	vld.idx.msk [tilespmem:v6+s13+$0x0], $0xffff  }
0x2a: {  	v12 =	vadd.s32 s31, v2;
	v7 =	vld.idx.msk [tilespmem:v7+s13+$0x0], $0xffff  }
0x2b: {  	v13 =	vadd.s32 s31, v3;
	v8 =	vld.idx.msk [tilespmem:v8+s13+$0x0], $0xffff  }
0x2c: {  	v14 =	vld.idx.msk [tilespmem:v9+s13+$0x0], $0xffff  }
0x2d: {  	v16 =	vld.idx.msk [tilespmem:v10+s13+$0x0], $0xffff  }
0x2e: {  	v17 =	vld.idx.msk [tilespmem:v11+s13+$0x0], $0xffff  }
0x2f: {  	v12 =	vld.idx.msk [tilespmem:v12+s13+$0x0], $0xffff  }
0x30: {  	v11 =	vld.idx.msk [tilespmem:v13+s13+$0x0], $0xffff  }
0x31: {  	v20 =	vld.idx.msk [tilespmem:v6+s2+$0x0], $0xffff  }
0x32: {  	v18 =	vmov v4;
	v21 =	vmov v5;
	v15 =	vmov v5;
	v19 =	vld.idx.msk [tilespmem:v7+s2+$0x0], $0xffff  }
0x33: {  	s25 =	simm.s32 $0x2;
	v10 =	vmovc v4;
	v9 =	vmovc v4;
	v13 =	vld.idx.msk [tilespmem:v8+s2+$0x0], $0xffff;
	v6 =	vmov v4;
	v8 =	vmov v5;
	v7 =	vmov v5  }
.LBB2_3:
0x34: {  	v22 =	vadd.s32 s25, v0;
	p0 =	slt.u32 s25, $0xC6;
	v23 =	vld.idx.msk [tilespmem:v14+s2+$0x0], $0xffff;
	s26 =	smov.u32 s25;
	s25 =	sadd.s32 $0x2, s25  }
0x35: {  	v14 =	vadd.s32 s26, v1;
	v24 =	vld.idx.msk [tilespmem:v16+s2+$0x0], $0xffff  }
0x36: {  	v16 =	vadd.s32 s26, v2;
	v25 =	vld.idx.msk [tilespmem:v17+s2+$0x0], $0xffff  }
0x37: {  	v17 =	vadd.s32 s26, v3;
	s26 =	sadd.s32 $0x1, s26;
	v26 =	vand.u32 $0xFFFF0000, v20;
	v20 =	vshll.u32 v20, $0x10;
	v12 =	vld.idx.msk [tilespmem:v12+s2+$0x0], $0xffff  }
0x38: {  	v27 =	vadd.s32 s26, v0;
	v21 =	vadd.f32 v20, v21;
	v20 =	vand.u32 $0xFFFF0000, v19;
	v11 =	vld.idx.msk [tilespmem:v11+s2+$0x0], $0xffff  }
0x39: {  	v28 =	vadd.s32 s26, v1;
	v19 =	vshll.u32 v19, $0x10;
	v29 =	vand.u32 $0xFFFF0000, v13;
	v22 =	vld.idx.msk [tilespmem:v22+s13+$0x0], $0xffff  }
0x3a: {  	v31 =	vadd.s32 s26, v2;
	v18 =	vadd.f32 v26, v18;
	v15 =	vadd.f32 v19, v15;
	v30 =	vld.idx.msk [tilespmem:v14+s13+$0x0], $0xffff  }
0x3b: {  	v19 =	vadd.s32 s26, v3;
	v13 =	vshll.u32 v13, $0x10;
	v10 =	vadd.f32 v29, v10;
	v26 =	vld.idx.msk [tilespmem:v16+s13+$0x0], $0xffff  }
0x3c: {  	v29 =	vand.u32 $0xFFFF0000, v25;
	v14 =	vld.idx.msk [tilespmem:v17+s13+$0x0], $0xffff;
	v17 =	vand.u32 $0xFFFF0000, v23;
	v23 =	vshll.u32 v23, $0x10  }
0x3d: {  	v32 =	vshll.u32 v12, $0x10;
	v16 =	vld.idx.msk [tilespmem:v27+s13+$0x0], $0xffff;
	v6 =	vadd.f32 v17, v6;
	v27 =	vand.u32 $0xFFFF0000, v12  }
0x3e: {  	v8 =	vadd.f32 v23, v8;
	v23 =	vand.u32 $0xFFFF0000, v11;
	v17 =	vld.idx.msk [tilespmem:v28+s13+$0x0], $0xffff;
	v28 =	vshll.u32 v11, $0x10  }
.Ltmp0:
0x3f: {  	v9 =	vadd.f32 v20, v9;
	v25 =	vshll.u32 v25, $0x10;
	v12 =	vld.idx.msk [tilespmem:v31+s13+$0x0], $0xffff;
	v6 =	vadd.f32 v23, v6;
	(pc) =	sbr.rel @p0 .LBB2_3-.Ltmp0, $4  }
0x40: {  	v7 =	vadd.f32 v13, v7;
	v13 =	vand.u32 $0xFFFF0000, v24;
	v10 =	vadd.f32 v27, v10;
	v11 =	vld.idx.msk [tilespmem:v19+s13+$0x0], $0xffff  }
0x41: {  	v9 =	vadd.f32 v29, v9;
	v15 =	vadd.f32 v25, v15;
	v20 =	vld.idx.msk [tilespmem:v22+s2+$0x0], $0xffff;
	v22 =	vshll.u32 v24, $0x10  }
0x42: {  	v18 =	vadd.f32 v13, v18;
	v19 =	vld.idx.msk [tilespmem:v30+s2+$0x0], $0xffff;
	v21 =	vadd.f32 v22, v21  }
0x43: {  	v7 =	vadd.f32 v32, v7;
	v8 =	vadd.f32 v28, v8;
	v13 =	vld.idx.msk [tilespmem:v26+s2+$0x0], $0xffff  }
0x44: {  	_ =	sdelay $0x3  }
0x45: {  	v16 =	vld.idx.msk [tilespmem:v16+s2+$0x0], $0xffff;
	_ =	sdelay $0x1  }
0x46: {  	v17 =	vld.idx.msk [tilespmem:v17+s2+$0x0], $0xffff;
	v22 =	vand.u32 $0xFFFF0000, v20;
	v20 =	vshll.u32 v20, $0x10  }
0x47: {  	v14 =	vld.idx.msk [tilespmem:v14+s2+$0x0], $0xffff;
	v20 =	vadd.f32 v20, v21;
	v21 =	vand.u32 $0xFFFF0000, v19;
	v19 =	vshll.u32 v19, $0x10  }
0x48: {  	v12 =	vld.idx.msk [tilespmem:v12+s2+$0x0], $0xffff;
	v18 =	vadd.f32 v22, v18;
	v23 =	vand.u32 $0xFFFF0000, v13;
	v15 =	vadd.f32 v19, v15  }
0x49: {  	v13 =	vshll.u32 v13, $0x10;
	v9 =	vadd.f32 v21, v9;
	v19 =	vand.u32 $0xFFFF0000, v16  }
0x4a: {  	s25 =	sshll.u32 s24, $0x7;
	v11 =	vld.idx.msk [tilespmem:v11+s2+$0x0], $0xffff;
	v10 =	vadd.f32 v23, v10;
	v16 =	vshll.u32 v16, $0x10;
	v18 =	vadd.f32 v19, v18  }
0x4b: {  	s25 =	sand.u32 $0x3FFFFF80, s25;
	v21 =	vand.u32 $0xFFFF0000, v17;
	v17 =	vshll.u32 v17, $0x10;
	v16 =	vadd.f32 v16, v20  }
0x4c: {  	v7 =	vadd.f32 v13, v7;
	v19 =	vand.u32 $0xFFFF0000, v14;
	v9 =	vadd.f32 v21, v9;
	[tilespmem:s25+$0x1EB80] =	vst v18  }
0x4d: {  	v14 =	vshll.u32 v14, $0x10;
	v13 =	vadd.f32 v17, v15;
	v18 =	vand.u32 $0xFFFF0000, v12;
	[tilespmem:s25+$0x1EF80] =	vst v16  }
0x4e: {  	v6 =	vadd.f32 v19, v6;
	v12 =	vshll.u32 v12, $0x10;
	[tilespmem:s25+$0x1EB90] =	vst v9;
	v10 =	vadd.f32 v18, v10  }
0x4f: {  	s26 =	smul.u32 $0x6480, s24;
	v8 =	vadd.f32 v14, v8;
	v9 =	vand.u32 $0xFFFF0000, v11;
	[tilespmem:s25+$0x1EF90] =	vst v13;
	v7 =	vadd.f32 v12, v7  }
0x50: {  	v11 =	vshll.u32 v11, $0x10;
	v6 =	vadd.f32 v9, v6;
	[tilespmem:s25+$0x1EBA0] =	vst v10  }
0x51: {  	s26 =	sshrl.u32 s26, $0x3;
	v8 =	vadd.f32 v11, v8;
	[tilespmem:s25+$0x1EFA0] =	vst v7  }
0x52: {  	s28 =	simm.s32 $0x0;
	s26 =	sadd.s32 s3, s26;
	[tilespmem:s25+$0x1EBB0] =	vst v6  }
0x53: {  	s29 =	sadd.s32 $0xC90, s26;
	[tilespmem:s25+$0x1EFB0] =	vst v8;
	v6 =	vadd.s32 s28, v0  }
0x54: {  	v7 =	vadd.s32 s28, v1;
	[tilespmem:s13], [sflag:$0x1] =	stream.linear.gather [hbm4b:s29+s28], $0x3240, $0x38;
	[tilespmem:$0x1F3A0] =	vst v63  }
0x55: {  	v8 =	vadd.s32 s28, v2;
	_ =	swait.ge [sflag:s20], $0x3240  }
0x56: {  	v9 =	vadd.s32 s28, v3;
	s28 =	simm.s32 $0x1;
	[sflag:s20] =	ssyncset.done $0x0  }
0x57: {  	v10 =	vadd.s32 s28, v0;
	[sflag:s20] =	ssyncadd.s32 $0xFFFFCDC0  }
0x58: {  	v11 =	vadd.s32 s28, v1;
	v6 =	vld.idx.msk [tilespmem:v6+s14+$0x0], $0xffff  }
0x59: {  	v12 =	vadd.s32 s28, v2;
	v7 =	vld.idx.msk [tilespmem:v7+s14+$0x0], $0xffff  }
0x5a: {  	v13 =	vadd.s32 s28, v3;
	v8 =	vld.idx.msk [tilespmem:v8+s14+$0x0], $0xffff  }
0x5b: {  	v14 =	vld.idx.msk [tilespmem:v9+s14+$0x0], $0xffff  }
0x5c: {  	v16 =	vld.idx.msk [tilespmem:v10+s14+$0x0], $0xffff  }
0x5d: {  	v17 =	vld.idx.msk [tilespmem:v11+s14+$0x0], $0xffff  }
0x5e: {  	v12 =	vld.idx.msk [tilespmem:v12+s14+$0x0], $0xffff  }
0x5f: {  	v11 =	vld.idx.msk [tilespmem:v13+s14+$0x0], $0xffff  }
0x60: {  	v20 =	vld.idx.msk [tilespmem:v6+s2+$0x0], $0xffff  }
0x61: {  	v21 =	vmov v5;
	v15 =	vmov v5;
	v18 =	vmov v4;
	v19 =	vld.idx.msk [tilespmem:v7+s2+$0x0], $0xffff  }
0x62: {  	s28 =	simm.s32 $0x2;
	v9 =	vmovc v4;
	v10 =	vmovc v4;
	v13 =	vld.idx.msk [tilespmem:v8+s2+$0x0], $0xffff;
	v6 =	vmov v4;
	v8 =	vmov v5;
	v7 =	vmov v5  }
.LBB2_5:
0x63: {  	v22 =	vadd.s32 s28, v0;
	p0 =	slt.u32 s28, $0xC6;
	v23 =	vld.idx.msk [tilespmem:v14+s2+$0x0], $0xffff;
	s29 =	smov.u32 s28;
	s28 =	sadd.s32 $0x2, s28  }
0x64: {  	v14 =	vadd.s32 s29, v1;
	v24 =	vld.idx.msk [tilespmem:v16+s2+$0x0], $0xffff  }
0x65: {  	v16 =	vadd.s32 s29, v2;
	v25 =	vld.idx.msk [tilespmem:v17+s2+$0x0], $0xffff  }
0x66: {  	v17 =	vadd.s32 s29, v3;
	s29 =	sadd.s32 $0x1, s29;
	v26 =	vand.u32 $0xFFFF0000, v20;
	v20 =	vshll.u32 v20, $0x10;
	v12 =	vld.idx.msk [tilespmem:v12+s2+$0x0], $0xffff  }
0x67: {  	v27 =	vadd.s32 s29, v0;
	v21 =	vadd.f32 v20, v21;
	v20 =	vand.u32 $0xFFFF0000, v19;
	v11 =	vld.idx.msk [tilespmem:v11+s2+$0x0], $0xffff  }
0x68: {  	v28 =	vadd.s32 s29, v1;
	v19 =	vshll.u32 v19, $0x10;
	v29 =	vand.u32 $0xFFFF0000, v13;
	v22 =	vld.idx.msk [tilespmem:v22+s14+$0x0], $0xffff  }
0x69: {  	v31 =	vadd.s32 s29, v2;
	v18 =	vadd.f32 v26, v18;
	v15 =	vadd.f32 v19, v15;
	v30 =	vld.idx.msk [tilespmem:v14+s14+$0x0], $0xffff  }
0x6a: {  	v19 =	vadd.s32 s29, v3;
	v13 =	vshll.u32 v13, $0x10;
	v10 =	vadd.f32 v29, v10;
	v26 =	vld.idx.msk [tilespmem:v16+s14+$0x0], $0xffff  }
0x6b: {  	v29 =	vand.u32 $0xFFFF0000, v25;
	v14 =	vld.idx.msk [tilespmem:v17+s14+$0x0], $0xffff;
	v17 =	vand.u32 $0xFFFF0000, v23;
	v23 =	vshll.u32 v23, $0x10  }
0x6c: {  	v32 =	vshll.u32 v12, $0x10;
	v16 =	vld.idx.msk [tilespmem:v27+s14+$0x0], $0xffff;
	v6 =	vadd.f32 v17, v6;
	v27 =	vand.u32 $0xFFFF0000, v12  }
0x6d: {  	v8 =	vadd.f32 v23, v8;
	v23 =	vand.u32 $0xFFFF0000, v11;
	v17 =	vld.idx.msk [tilespmem:v28+s14+$0x0], $0xffff;
	v28 =	vshll.u32 v11, $0x10  }
.Ltmp1:
0x6e: {  	v9 =	vadd.f32 v20, v9;
	v25 =	vshll.u32 v25, $0x10;
	v12 =	vld.idx.msk [tilespmem:v31+s14+$0x0], $0xffff;
	v6 =	vadd.f32 v23, v6;
	(pc) =	sbr.rel @p0 .LBB2_5-.Ltmp1, $4  }
0x6f: {  	v7 =	vadd.f32 v13, v7;
	v13 =	vand.u32 $0xFFFF0000, v24;
	v10 =	vadd.f32 v27, v10;
	v11 =	vld.idx.msk [tilespmem:v19+s14+$0x0], $0xffff  }
0x70: {  	v9 =	vadd.f32 v29, v9;
	v15 =	vadd.f32 v25, v15;
	v20 =	vld.idx.msk [tilespmem:v22+s2+$0x0], $0xffff;
	v22 =	vshll.u32 v24, $0x10  }
0x71: {  	v18 =	vadd.f32 v13, v18;
	v19 =	vld.idx.msk [tilespmem:v30+s2+$0x0], $0xffff;
	v21 =	vadd.f32 v22, v21  }
0x72: {  	v7 =	vadd.f32 v32, v7;
	v8 =	vadd.f32 v28, v8;
	v13 =	vld.idx.msk [tilespmem:v26+s2+$0x0], $0xffff  }
0x73: {  	_ =	sdelay $0x3  }
0x74: {  	v16 =	vld.idx.msk [tilespmem:v16+s2+$0x0], $0xffff  }
0x75: {  	v14 =	vld.idx.msk [tilespmem:v14+s2+$0x0], $0xffff  }
0x76: {  	v17 =	vld.idx.msk [tilespmem:v17+s2+$0x0], $0xffff;
	v22 =	vand.u32 $0xFFFF0000, v20;
	v54 =	vshll.u32 v20, $0x10  }
0x77: {  	v20 =	vadd.f32 v54, v21;
	v55 =	vand.u32 $0xFFFF0000, v19;
	v56 =	vshll.u32 v19, $0x10  }
0x78: {  	v12 =	vld.idx.msk [tilespmem:v12+s2+$0x0], $0xffff;
	v18 =	vadd.f32 v22, v18;
	v23 =	vand.u32 $0xFFFF0000, v13;
	v15 =	vadd.f32 v56, v15  }
0x79: {  	v57 =	vshll.u32 v13, $0x10;
	v9 =	vadd.f32 v55, v9;
	v58 =	vand.u32 $0xFFFF0000, v16  }
0x7a: {  	v11 =	vld.idx.msk [tilespmem:v11+s2+$0x0], $0xffff;
	v10 =	vadd.f32 v23, v10;
	v16 =	vshll.u32 v16, $0x10;
	v18 =	vadd.f32 v58, v18  }
0x7b: {  	v59 =	vand.u32 $0xFFFF0000, v14;
	v60 =	vand.u32 $0xFFFF0000, v17;
	v16 =	vadd.f32 v16, v20  }
0x7c: {  	v14 =	vshll.u32 v14, $0x10;
	v17 =	vshll.u32 v17, $0x10;
	v9 =	vadd.f32 v60, v9;
	[tilespmem:s25+$0x1EBC0] =	vst v18  }
0x7d: {  	v61 =	vand.u32 $0xFFFF0000, v12;
	v7 =	vadd.f32 v57, v7;
	v62 =	vadd.f32 v17, v15;
	[tilespmem:s25+$0x1EFC0] =	vst v16  }
0x7e: {  	s24 =	sadd.s32 $0x1, s24;
	v12 =	vshll.u32 v12, $0x10;
	v6 =	vadd.f32 v59, v6;
	v10 =	vadd.f32 v61, v10;
	[tilespmem:s25+$0x1EBD0] =	vst v9  }
0x7f: {  	p0 =	sne.s32 s24, $0x7;
	v8 =	vadd.f32 v14, v8;
	v63 =	vand.u32 $0xFFFF0000, v11;
	v7 =	vadd.f32 v12, v7;
	[tilespmem:s25+$0x1EFD0] =	vst v62  }
.Ltmp2:
0x80: {  	v11 =	vshll.u32 v11, $0x10;
	v6 =	vadd.f32 v63, v6;
	[tilespmem:s25+$0x1EBE0] =	vst v10;
	(pc) =	sbr.rel @p0 .LBB2_2-.Ltmp2, $4  }
0x81: {  	v8 =	vadd.f32 v11, v8;
	[tilespmem:s25+$0x1EFE0] =	vst v7  }
0x82: {  	[tilespmem:s25+$0x1EBF0] =	vst v6  }
0x83: {  	s31 =	sadd.s32 $0x12D8, s26;
	[tilespmem:s25+$0x1EFF0] =	vst v8  }
0x84: {  	[tilespmem:s14], [sflag:$0x2] =	stream.linear.gather [hbm4b:s31+s2], $0x3240, $0x38;
	[tilespmem:$0x1F3A0] =	vst v63  }
0x85: {  	s24 =	simm.s32 $0x0  }
0x86: {  	v6 =	vadd.s32 s24, v0  }
0x87: {  	v7 =	vadd.s32 s24, v1  }
0x88: {  	_ =	swait.ge [sflag:s19], $0x3240;
	v8 =	vadd.s32 s24, v2  }
0x89: {  	s31 =	simm.s32 $0x1;
	[sflag:s19] =	ssyncset.done $0x0;
	v9 =	vadd.s32 s24, v3  }
0x8a: {  	v10 =	vadd.s32 s31, v0;
	[sflag:s19] =	ssyncadd.s32 $0xFFFFCDC0  }
0x8b: {  	v11 =	vadd.s32 s31, v1;
	v6 =	vld.idx.msk [tilespmem:v6+s13+$0x0], $0xffff  }
0x8c: {  	v12 =	vadd.s32 s31, v2;
	v7 =	vld.idx.msk [tilespmem:v7+s13+$0x0], $0xffff  }
0x8d: {  	v13 =	vadd.s32 s31, v3;
	v8 =	vld.idx.msk [tilespmem:v8+s13+$0x0], $0xffff  }
0x8e: {  	v14 =	vld.idx.msk [tilespmem:v9+s13+$0x0], $0xffff  }
0x8f: {  	v16 =	vld.idx.msk [tilespmem:v10+s13+$0x0], $0xffff  }
0x90: {  	v17 =	vld.idx.msk [tilespmem:v11+s13+$0x0], $0xffff  }
0x91: {  	v12 =	vld.idx.msk [tilespmem:v12+s13+$0x0], $0xffff  }
0x92: {  	v11 =	vld.idx.msk [tilespmem:v13+s13+$0x0], $0xffff  }
0x93: {  	v20 =	vld.idx.msk [tilespmem:v6+s2+$0x0], $0xffff  }
0x94: {  	v21 =	vmov v5;
	v18 =	vmov v4;
	v15 =	vmov v5;
	v19 =	vld.idx.msk [tilespmem:v7+s2+$0x0], $0xffff  }
0x95: {  	s24 =	simm.s32 $0x2;
	v10 =	vmovc v4;
	v9 =	vmovc v4;
	v13 =	vld.idx.msk [tilespmem:v8+s2+$0x0], $0xffff;
	v6 =	vmov v4;
	v8 =	vmov v5;
	v7 =	vmov v5  }
.LBB2_8:
0x96: {  	v22 =	vadd.s32 s24, v0;
	p0 =	slt.u32 s24, $0xC6;
	v23 =	vld.idx.msk [tilespmem:v14+s2+$0x0], $0xffff;
	s25 =	smov.u32 s24;
	s24 =	sadd.s32 $0x2, s24  }
0x97: {  	v14 =	vadd.s32 s25, v1;
	v24 =	vld.idx.msk [tilespmem:v16+s2+$0x0], $0xffff  }
0x98: {  	v16 =	vadd.s32 s25, v2;
	v25 =	vld.idx.msk [tilespmem:v17+s2+$0x0], $0xffff  }
0x99: {  	v17 =	vadd.s32 s25, v3;
	s25 =	sadd.s32 $0x1, s25;
	v26 =	vand.u32 $0xFFFF0000, v20;
	v20 =	vshll.u32 v20, $0x10;
	v12 =	vld.idx.msk [tilespmem:v12+s2+$0x0], $0xffff  }
0x9a: {  	v27 =	vadd.s32 s25, v0;
	v21 =	vadd.f32 v20, v21;
	v20 =	vand.u32 $0xFFFF0000, v19;
	v11 =	vld.idx.msk [tilespmem:v11+s2+$0x0], $0xffff  }
0x9b: {  	v28 =	vadd.s32 s25, v1;
	v19 =	vshll.u32 v19, $0x10;
	v29 =	vand.u32 $0xFFFF0000, v13;
	v22 =	vld.idx.msk [tilespmem:v22+s13+$0x0], $0xffff  }
0x9c: {  	v31 =	vadd.s32 s25, v2;
	v18 =	vadd.f32 v26, v18;
	v15 =	vadd.f32 v19, v15;
	v30 =	vld.idx.msk [tilespmem:v14+s13+$0x0], $0xffff  }
0x9d: {  	v19 =	vadd.s32 s25, v3;
	v13 =	vshll.u32 v13, $0x10;
	v10 =	vadd.f32 v29, v10;
	v26 =	vld.idx.msk [tilespmem:v16+s13+$0x0], $0xffff  }
0x9e: {  	v29 =	vand.u32 $0xFFFF0000, v25;
	v14 =	vld.idx.msk [tilespmem:v17+s13+$0x0], $0xffff;
	v17 =	vand.u32 $0xFFFF0000, v23;
	v23 =	vshll.u32 v23, $0x10  }
0x9f: {  	v32 =	vshll.u32 v12, $0x10;
	v16 =	vld.idx.msk [tilespmem:v27+s13+$0x0], $0xffff;
	v6 =	vadd.f32 v17, v6;
	v27 =	vand.u32 $0xFFFF0000, v12  }
0xa0: {  	v8 =	vadd.f32 v23, v8;
	v23 =	vand.u32 $0xFFFF0000, v11;
	v17 =	vld.idx.msk [tilespmem:v28+s13+$0x0], $0xffff;
	v28 =	vshll.u32 v11, $0x10  }
.Ltmp3:
0xa1: {  	v9 =	vadd.f32 v20, v9;
	v25 =	vshll.u32 v25, $0x10;
	v12 =	vld.idx.msk [tilespmem:v31+s13+$0x0], $0xffff;
	v6 =	vadd.f32 v23, v6;
	(pc) =	sbr.rel @p0 .LBB2_8-.Ltmp3, $4  }
0xa2: {  	v7 =	vadd.f32 v13, v7;
	v13 =	vand.u32 $0xFFFF0000, v24;
	v10 =	vadd.f32 v27, v10;
	v11 =	vld.idx.msk [tilespmem:v19+s13+$0x0], $0xffff  }
0xa3: {  	v9 =	vadd.f32 v29, v9;
	v15 =	vadd.f32 v25, v15;
	v20 =	vld.idx.msk [tilespmem:v22+s2+$0x0], $0xffff;
	v22 =	vshll.u32 v24, $0x10  }
0xa4: {  	v18 =	vadd.f32 v13, v18;
	v19 =	vld.idx.msk [tilespmem:v30+s2+$0x0], $0xffff;
	v21 =	vadd.f32 v22, v21  }
0xa5: {  	v7 =	vadd.f32 v32, v7;
	v8 =	vadd.f32 v28, v8;
	v13 =	vld.idx.msk [tilespmem:v26+s2+$0x0], $0xffff  }
0xa6: {  	_ =	sdelay $0x3  }
0xa7: {  	v16 =	vld.idx.msk [tilespmem:v16+s2+$0x0], $0xffff;
	_ =	sdelay $0x1  }
0xa8: {  	v17 =	vld.idx.msk [tilespmem:v17+s2+$0x0], $0xffff;
	v22 =	vand.u32 $0xFFFF0000, v20;
	v20 =	vshll.u32 v20, $0x10  }
0xa9: {  	v14 =	vld.idx.msk [tilespmem:v14+s2+$0x0], $0xffff;
	v20 =	vadd.f32 v20, v21;
	v62 =	vand.u32 $0xFFFF0000, v19;
	v19 =	vshll.u32 v19, $0x10  }
0xaa: {  	v12 =	vld.idx.msk [tilespmem:v12+s2+$0x0], $0xffff;
	v18 =	vadd.f32 v22, v18;
	v23 =	vand.u32 $0xFFFF0000, v13;
	v15 =	vadd.f32 v19, v15  }
0xab: {  	v13 =	vshll.u32 v13, $0x10;
	v9 =	vadd.f32 v62, v9;
	v19 =	vand.u32 $0xFFFF0000, v16  }
0xac: {  	v11 =	vld.idx.msk [tilespmem:v11+s2+$0x0], $0xffff;
	v10 =	vadd.f32 v23, v10;
	v16 =	vshll.u32 v16, $0x10;
	v18 =	vadd.f32 v19, v18  }
0xad: {  	v63 =	vand.u32 $0xFFFF0000, v17;
	v17 =	vshll.u32 v17, $0x10;
	v16 =	vadd.f32 v16, v20  }
0xae: {  	v7 =	vadd.f32 v13, v7;
	v19 =	vand.u32 $0xFFFF0000, v14;
	v9 =	vadd.f32 v63, v9;
	[tilespmem:$0x1EF00] =	vst v18  }
0xaf: {  	v14 =	vshll.u32 v14, $0x10;
	v13 =	vadd.f32 v17, v15;
	v18 =	vand.u32 $0xFFFF0000, v12;
	[tilespmem:$0x1F300] =	vst v16  }
0xb0: {  	v6 =	vadd.f32 v19, v6;
	v12 =	vshll.u32 v12, $0x10;
	[tilespmem:$0x1EF10] =	vst v9;
	v10 =	vadd.f32 v18, v10  }
0xb1: {  	v8 =	vadd.f32 v14, v8;
	v9 =	vand.u32 $0xFFFF0000, v11;
	[tilespmem:$0x1F310] =	vst v13;
	v7 =	vadd.f32 v12, v7  }
0xb2: {  	v11 =	vshll.u32 v11, $0x10;
	v6 =	vadd.f32 v9, v6;
	[tilespmem:$0x1EF20] =	vst v10  }
0xb3: {  	s24 =	simm.s32 $0x0;
	v8 =	vadd.f32 v11, v8;
	[tilespmem:$0x1F320] =	vst v7  }
0xb4: {  	[tilespmem:$0x1EF30] =	vst v6;
	v6 =	vadd.s32 s24, v0  }
0xb5: {  	[tilespmem:$0x1F330] =	vst v8;
	v7 =	vadd.s32 s24, v1  }
0xb6: {  	v8 =	vadd.s32 s24, v2;
	_ =	swait.ge [sflag:s20], $0x3240  }
0xb7: {  	s31 =	simm.s32 $0x1;
	v9 =	vadd.s32 s24, v3;
	[sflag:s20] =	ssyncset.done $0x0  }
0xb8: {  	v10 =	vadd.s32 s31, v0;
	[sflag:s20] =	ssyncadd.s32 $0xFFFFCDC0  }
0xb9: {  	v11 =	vadd.s32 s31, v1;
	v6 =	vld.idx.msk [tilespmem:v6+s14+$0x0], $0xffff  }
0xba: {  	v12 =	vadd.s32 s31, v2;
	v7 =	vld.idx.msk [tilespmem:v7+s14+$0x0], $0xffff  }
0xbb: {  	v13 =	vadd.s32 s31, v3;
	v8 =	vld.idx.msk [tilespmem:v8+s14+$0x0], $0xffff  }
0xbc: {  	v15 =	vld.idx.msk [tilespmem:v9+s14+$0x0], $0xffff  }
0xbd: {  	v16 =	vld.idx.msk [tilespmem:v10+s14+$0x0], $0xffff  }
0xbe: {  	v17 =	vld.idx.msk [tilespmem:v11+s14+$0x0], $0xffff  }
0xbf: {  	v12 =	vld.idx.msk [tilespmem:v12+s14+$0x0], $0xffff  }
0xc0: {  	v11 =	vld.idx.msk [tilespmem:v13+s14+$0x0], $0xffff  }
0xc1: {  	v19 =	vld.idx.msk [tilespmem:v6+s2+$0x0], $0xffff  }
0xc2: {  	v14 =	vmov v5;
	v18 =	vld.idx.msk [tilespmem:v7+s2+$0x0], $0xffff  }
0xc3: {  	s24 =	simm.s32 $0x2;
	v9 =	vmovc v4;
	v10 =	vmovc v4;
	v13 =	vld.idx.msk [tilespmem:v8+s2+$0x0], $0xffff;
	v6 =	vmov v4;
	v8 =	vmov v5;
	v7 =	vmov v5  }
.LBB2_10:
0xc4: {  	v20 =	vadd.s32 s24, v0;
	p0 =	slt.u32 s24, $0xC6;
	v21 =	vld.idx.msk [tilespmem:v15+s2+$0x0], $0xffff;
	s25 =	smov.u32 s24;
	s24 =	sadd.s32 $0x2, s24  }
0xc5: {  	v15 =	vadd.s32 s25, v1;
	v22 =	vld.idx.msk [tilespmem:v16+s2+$0x0], $0xffff  }
0xc6: {  	v16 =	vadd.s32 s25, v2;
	v23 =	vld.idx.msk [tilespmem:v17+s2+$0x0], $0xffff  }
0xc7: {  	v17 =	vadd.s32 s25, v3;
	s25 =	sadd.s32 $0x1, s25;
	v24 =	vand.u32 $0xFFFF0000, v19;
	v19 =	vshll.u32 v19, $0x10;
	v12 =	vld.idx.msk [tilespmem:v12+s2+$0x0], $0xffff  }
0xc8: {  	v25 =	vadd.s32 s25, v0;
	v5 =	vadd.f32 v19, v5;
	v19 =	vand.u32 $0xFFFF0000, v18;
	v11 =	vld.idx.msk [tilespmem:v11+s2+$0x0], $0xffff  }
0xc9: {  	v26 =	vadd.s32 s25, v1;
	v18 =	vshll.u32 v18, $0x10;
	v27 =	vand.u32 $0xFFFF0000, v13;
	v20 =	vld.idx.msk [tilespmem:v20+s14+$0x0], $0xffff  }
0xca: {  	v29 =	vadd.s32 s25, v2;
	v4 =	vadd.f32 v24, v4;
	v14 =	vadd.f32 v18, v14;
	v28 =	vld.idx.msk [tilespmem:v15+s14+$0x0], $0xffff  }
0xcb: {  	v18 =	vadd.s32 s25, v3;
	v13 =	vshll.u32 v13, $0x10;
	v10 =	vadd.f32 v27, v10;
	v24 =	vld.idx.msk [tilespmem:v16+s14+$0x0], $0xffff  }
0xcc: {  	v27 =	vand.u32 $0xFFFF0000, v23;
	v15 =	vld.idx.msk [tilespmem:v17+s14+$0x0], $0xffff;
	v17 =	vand.u32 $0xFFFF0000, v21;
	v21 =	vshll.u32 v21, $0x10  }
0xcd: {  	v30 =	vshll.u32 v12, $0x10;
	v16 =	vld.idx.msk [tilespmem:v25+s14+$0x0], $0xffff;
	v6 =	vadd.f32 v17, v6;
	v25 =	vand.u32 $0xFFFF0000, v12  }
0xce: {  	v8 =	vadd.f32 v21, v8;
	v21 =	vand.u32 $0xFFFF0000, v11;
	v17 =	vld.idx.msk [tilespmem:v26+s14+$0x0], $0xffff;
	v26 =	vshll.u32 v11, $0x10  }
.Ltmp4:
0xcf: {  	v9 =	vadd.f32 v19, v9;
	v23 =	vshll.u32 v23, $0x10;
	v12 =	vld.idx.msk [tilespmem:v29+s14+$0x0], $0xffff;
	v6 =	vadd.f32 v21, v6;
	(pc) =	sbr.rel @p0 .LBB2_10-.Ltmp4, $4  }
0xd0: {  	v7 =	vadd.f32 v13, v7;
	v13 =	vand.u32 $0xFFFF0000, v22;
	v10 =	vadd.f32 v25, v10;
	v11 =	vld.idx.msk [tilespmem:v18+s14+$0x0], $0xffff  }
0xd1: {  	v9 =	vadd.f32 v27, v9;
	v14 =	vadd.f32 v23, v14;
	v19 =	vld.idx.msk [tilespmem:v20+s2+$0x0], $0xffff;
	v20 =	vshll.u32 v22, $0x10  }
0xd2: {  	v4 =	vadd.f32 v13, v4;
	v18 =	vld.idx.msk [tilespmem:v28+s2+$0x0], $0xffff;
	v5 =	vadd.f32 v20, v5  }
0xd3: {  	v7 =	vadd.f32 v30, v7;
	v8 =	vadd.f32 v26, v8;
	v13 =	vld.idx.msk [tilespmem:v24+s2+$0x0], $0xffff  }
0xd4: {  	_ =	sdelay $0x3  }
0xd5: {  	v16 =	vld.idx.msk [tilespmem:v16+s2+$0x0], $0xffff  }
0xd6: {  	v15 =	vld.idx.msk [tilespmem:v15+s2+$0x0], $0xffff  }
0xd7: {  	v17 =	vld.idx.msk [tilespmem:v17+s2+$0x0], $0xffff;
	v20 =	vand.u32 $0xFFFF0000, v19;
	v52 =	vshll.u32 v19, $0x10  }
0xd8: {  	v5 =	vadd.f32 v52, v5;
	v53 =	vand.u32 $0xFFFF0000, v18;
	v54 =	vshll.u32 v18, $0x10  }
0xd9: {  	v12 =	vld.idx.msk [tilespmem:v12+s2+$0x0], $0xffff;
	v4 =	vadd.f32 v20, v4;
	v21 =	vand.u32 $0xFFFF0000, v13;
	v14 =	vadd.f32 v54, v14  }
0xda: {  	v55 =	vshll.u32 v13, $0x10;
	v9 =	vadd.f32 v53, v9;
	v56 =	vand.u32 $0xFFFF0000, v16  }
0xdb: {  	v11 =	vld.idx.msk [tilespmem:v11+s2+$0x0], $0xffff;
	v10 =	vadd.f32 v21, v10;
	v16 =	vshll.u32 v16, $0x10;
	v4 =	vadd.f32 v56, v4  }
0xdc: {  	v57 =	vand.u32 $0xFFFF0000, v15;
	v58 =	vand.u32 $0xFFFF0000, v17;
	v5 =	vadd.f32 v16, v5  }
0xdd: {  	v59 =	vshll.u32 v17, $0x10;
	v7 =	vadd.f32 v55, v7;
	v9 =	vadd.f32 v58, v9;
	[tilespmem:$0x1EF40] =	vst v4  }
0xde: {  	v15 =	vshll.u32 v15, $0x10;
	v61 =	vshll.u32 v12, $0x10;
	v60 =	vadd.f32 v59, v14;
	[tilespmem:$0x1F340] =	vst v5  }
0xdf: {  	v4 =	vand.u32 $0xFFFF0000, v12;
	v5 =	vadd.f32 v57, v6;
	[tilespmem:$0x1EF50] =	vst v9;
	v6 =	vadd.f32 v61, v7  }
0xe0: {  	v8 =	vadd.f32 v15, v8;
	v62 =	vand.u32 $0xFFFF0000, v11;
	[tilespmem:$0x1F350] =	vst v60;
	v4 =	vadd.f32 v4, v10  }
0xe1: {  	v63 =	vshll.u32 v11, $0x10;
	v5 =	vadd.f32 v62, v5;
	[tilespmem:$0x1F360] =	vst v6  }
0xe2: {  	[tilespmem:$0x1EF60] =	vst v4;
	v4 =	vadd.f32 v63, v8  }
0xe3: {  	[tilespmem:$0x1EF70] =	vst v5  }
0xe4: {  	[tilespmem:$0x1F370] =	vst v4  }
0xe5: {  	[hbm4b:s8+s2] =	stream.linear.scatter [tilespmem:s21], [sflag:$0x4], $0x400, $0x38;
	[tilespmem:$0x1F3A0] =	vst v63  }
0xe6: {  	s23 =	sadd.s32 $0x1, s23;
	_ =	swait.ge [sflag:s16], $0x400  }
0xe7: {  	p0 =	sne.s32 s23, s10;
	[sflag:s16] =	ssyncset.done $0x0  }
.Ltmp5:
0xe8: {  	[sflag:s16] =	ssyncadd.s32 $0xFFFFFC00;
	(pc) =	sbr.rel @p0 .LBB2_1-.Ltmp5, $4  }
0xe9: {  	[hbm4b:s9+s2] =	stream.linear.scatter [tilespmem:s22], [sflag:$0x4], $0x400, $0x38;
	[tilespmem:$0x1F3A0] =	vst v63  }
0xea: {  	_ =	swait.ge [sflag:s16], $0x400  }
0xeb: {  	[sflag:s16] =	ssyncset.done $0x0  }
0xec: {  	[sflag:s16] =	ssyncadd.s32 $0xFFFFFC00  }
0xed: {  	_ =	sfence.sel $0x180000  }
0xee: {  	[bflag:$0x0] =	sbarrier.arrive $0xFFFF  }
0xef: {  	p0 =	sne.s32 s0, $0x0;
	_ =	strace $0x90000047  }
0xf0: {  	s0 =	sadd.s32 @!p0 $0x100000, s1;
	[bflag:$0x2] =	sbarrier.arrive $0xFFFF  }
0xf1: {  	[sflag:s0] =	ssyncadd.tile.s32 @!p0 $0x1;
	_ =	shalt  }
.Lfunc_end2:
_tile_overlayer_lowered:
.L_overlay_start_2:
0xf2: {  	(tag) =	ssettag $0x2  }
0xf3: {  	s0 =	rddreg [dreg:$0x0];
	s2 =	stileid.u32  }
0xf4: {  	s1 =	rddreg [dreg:$0x1];
	p0 =	sne.s32 s2, $0x0  }
0xf5: {  	s3 =	rddreg [dreg:$0x2];
	[bflag:$0x3] =	sbarrier.arrive $0xFFFF;
	s2 =	simm.s32 @!p0 $0x1C04  }
0xf6: {  	[timem:s3], [sflag:s2] =	dma.local @!p0 [hbm:s0], s1  }
0xf7: {  	s0 =	simm.s32 @!p0 $0x4  }
0xf8: {  	_ =	swait.ge @!p0 [sflag:s0], s1  }
0xf9: {  	s1 =	ssub.s32 @!p0 $0x0, s1;
	[sflag:s0] =	ssyncset.done @!p0 $0x0  }
0xfa: {  	[sflag:s0] =	ssyncadd.s32 @!p0 s1  }
0xfb: {  	[bflag:$0x3] =	sbarrier.arrive $0xFFFF  }
0xfc: {  	_ =	shalt  }

</sc_bundles>
